<compile_context>
chip_gen: v7x
topology: tpu7x:2x2x1
jax: 0.10.2.dev20260603
libtpu: 0.0.44.dev20260713+nightly
codegen_flags: <defaults>
</compile_context>

<pallas_src>
import functools

import jax
import jax.numpy as jnp
from jax import lax
from jax.experimental import pallas as pl
from jax.experimental.pallas import tpu as pltpu
from jax.experimental.pallas import tpu_sc as plsc

_CHUNK_ROWS = 32
_NBUF = 2


def kernel(x, table):
    seq_length = x.shape[1]
    num_rows, hidden = table.shape
    seq_length = min(seq_length, num_rows)

    info = plsc.get_sparse_core_info()
    num_workers = info.num_cores * info.num_subcores
    rows_per_w = seq_length // num_workers
    assert rows_per_w * num_workers == seq_length
    assert rows_per_w % (2 * _CHUNK_ROWS) == 0
    n_per_path = rows_per_w // (2 * _CHUNK_ROWS)

    mesh = plsc.VectorSubcoreMesh(core_axis_name="c", subcore_axis_name="s")

    @functools.partial(
        pl.kernel,
        mesh=mesh,
        out_type=jax.ShapeDtypeStruct((seq_length, hidden), table.dtype),
        scratch_types=[
            pltpu.VMEM((_NBUF, _CHUNK_ROWS, hidden), table.dtype),
            pltpu.VMEM_SHARED(
                (info.num_subcores, _NBUF, _CHUNK_ROWS, hidden), table.dtype
            ),
            pltpu.SemaphoreType.DMA((_NBUF,)),
            pltpu.SemaphoreType.DMA((_NBUF,)),
            pltpu.SemaphoreType.DMA((_NBUF,)),
            pltpu.SemaphoreType.DMA((_NBUF,)),
        ],
    )
    def copy_rows(table_hbm, out_hbm, tbuf, shared, tl, ts, sl, ss):
        sid = lax.axis_index("s")
        wid = sid * info.num_cores + lax.axis_index("c")
        base = wid * rows_per_w

        def rows_at(g):
            return pl.ds(base + g * _CHUNK_ROWS, _CHUNK_ROWS)

        def load_a(g, b):
            return pltpu.async_copy(table_hbm.at[rows_at(2 * g)], tbuf.at[b], tl.at[b])

        def store_a(g, b):
            return pltpu.async_copy(tbuf.at[b], out_hbm.at[rows_at(2 * g)], ts.at[b])

        def load_b(g, b):
            return pltpu.async_copy(
                table_hbm.at[rows_at(2 * g + 1)], shared.at[sid, b], sl.at[b]
            )

        def store_b(g, b):
            return pltpu.async_copy(
                shared.at[sid, b], out_hbm.at[rows_at(2 * g + 1)], ss.at[b]
            )

        la = [load_a(g, g) for g in range(min(_NBUF, n_per_path))]
        lb = [load_b(g, g) for g in range(min(_NBUF, n_per_path))]
        sa = [None] * _NBUF
        sb = [None] * _NBUF
        for g in range(n_per_path):
            b = g % _NBUF
            nxt = g + _NBUF
            la[b].wait()
            sa[b] = store_a(g, b)
            lb[b].wait()
            sb[b] = store_b(g, b)
            if nxt < n_per_path:
                sa[b].wait()
                sa[b] = None
                la[b] = load_a(nxt, b)
                sb[b].wait()
                sb[b] = None
                lb[b] = load_b(nxt, b)
        for h in sa + sb:
            if h is not None:
                h.wait()

    return copy_rows(table)

# --- scband reference (transcript-rebuilt; emitter-appended) ---
"""Pipeline reference for scband-position-embeddings-63075889709302 (READ-ONLY COPY).

The authoritative reference and input builder live on the scoring server;
editing this copy changes nothing except your own understanding.
"""

import jax, jax.numpy as jnp
import numpy as np

HIDDEN_SIZE = 1024
MAX_POS = 8192


def setup_inputs(seed: int = 0) -> dict:
    key = jax.random.key(seed)
    k1, k2 = jax.random.split(key)
    x = jax.random.normal(k1, (4, 8192), dtype=jnp.float32)
    table = jax.random.normal(k2, (MAX_POS, HIDDEN_SIZE), dtype=jnp.float32) * 0.02
    return {"x": x, "table": table}


def reference(x, table):
    # PositionEmbeddings.forward: uses only x.shape[:2]
    batch_size, seq_length = x.shape[0], x.shape[1]
    position_ids = jnp.arange(table.shape[0], dtype=jnp.int32)[:seq_length]
    embeddings = jnp.take(table, position_ids, axis=0)
    return embeddings

if __name__ == "__main__":
    import jax
    _d = setup_inputs()
    print(jax.jit(kernel)(*tuple(_d.values())))

</pallas_src>

<mosaic_0001>
#map = affine_map<(d0, d1) -> (0, 0)>
module attributes {stable_mosaic.version = 14 : i64} {
  func.func @copy_rows(%arg0: i32, %arg1: i32, %arg2: memref<8192x1024xf32, #tpu.memory_space<hbm>>, %arg3: memref<8192x1024xf32, #tpu.memory_space<hbm>>, %arg4: memref<2x32x1024xf32, #tpu.memory_space<vmem>>, %arg5: memref<16x2x32x1024xf32, #tpu.memory_space<vmem_shared>>, %arg6: memref<2x!tpu.dma_semaphore, #tpu.memory_space<semaphore_mem>>, %arg7: memref<2x!tpu.dma_semaphore, #tpu.memory_space<semaphore_mem>>, %arg8: memref<2x!tpu.dma_semaphore, #tpu.memory_space<semaphore_mem>>, %arg9: memref<2x!tpu.dma_semaphore, #tpu.memory_space<semaphore_mem>>) attributes {dimension_semantics = [#tpu.dimension_semantics<core_parallel>, #tpu.dimension_semantics<subcore_parallel>], iteration_bounds = array<i64: 2, 16>, scalar_prefetch = 0 : i64, scratch_operands = 6 : i64, tpu.core_type = #tpu.core_type<sc_vector_subcore>, window_params = [{transform_indices = #map}, {transform_indices = #map}]} {
    %mul3A = arith.constant 2 : i32
    %mul3A_0 = arith.muli %arg1, %mul3A : i32
    %add3A = arith.addi %mul3A_0, %arg0 : i32
    %mul3A_1 = arith.constant 256 : i32
    %mul3A_2 = arith.muli %add3A, %mul3A_1 : i32
    %add3A_3 = arith.constant 0 : i32
    %add3A_4 = arith.addi %mul3A_2, %add3A_3 : i32
    %dma_start3A = arith.constant 0 : i32
    %dma_start3A_5 = arith.constant 0 : i32
    %dma_start3A_6 = arith.constant 0 : i32
    %dma_start3A_7 = arith.constant 0 : i32
    %dma_start3A_8 = tpu.memref_slice %arg4[%dma_start3A, %dma_start3A_6, %dma_start3A_7] : memref<2x32x1024xf32, #tpu.memory_space<vmem>> -> memref<1x32x1024xf32, #tpu.memory_space<vmem>>
    %dma_start3A_9 = tpu.memref_squeeze %dma_start3A_8 : memref<1x32x1024xf32, #tpu.memory_space<vmem>> -> memref<32x1024xf32, #tpu.memory_space<vmem>>
    %dma_start3A_10 = arith.constant 0 : i32
    %dma_start3A_11 = tpu.memref_slice %arg2[%add3A_4, %dma_start3A_10] : memref<8192x1024xf32, #tpu.memory_space<hbm>> -> memref<32x1024xf32, #tpu.memory_space<hbm>>
    %dma_start3A_12 = tpu.memref_slice %arg6[%dma_start3A_5] : memref<2x!tpu.dma_semaphore, #tpu.memory_space<semaphore_mem>> -> memref<1x!tpu.dma_semaphore, #tpu.memory_space<semaphore_mem>>
    %dma_start3A_13 = tpu.memref_squeeze %dma_start3A_12 : memref<1x!tpu.dma_semaphore, #tpu.memory_space<semaphore_mem>> -> memref<!tpu.dma_semaphore, #tpu.memory_space<semaphore_mem>>
    %dma_start3A_14 = arith.constant 0 : i32
    %dma_start3A_15 = arith.constant 0 : i32
    %dma_start3A_16 = tpu.memref_slice %arg4[%dma_start3A, %dma_start3A_14, %dma_start3A_15] : memref<2x32x1024xf32, #tpu.memory_space<vmem>> -> memref<1x32x1024xf32, #tpu.memory_space<vmem>>
    %dma_start3A_17 = tpu.memref_squeeze %dma_start3A_16 : memref<1x32x1024xf32, #tpu.memory_space<vmem>> -> memref<32x1024xf32, #tpu.memory_space<vmem>>
    %dma_start3A_18 = arith.constant 0 : i32
    %dma_start3A_19 = tpu.memref_slice %arg2[%add3A_4, %dma_start3A_18] : memref<8192x1024xf32, #tpu.memory_space<hbm>> -> memref<32x1024xf32, #tpu.memory_space<hbm>>
    tpu.enqueue_dma source(%dma_start3A_19 : memref<32x1024xf32, #tpu.memory_space<hbm>>) target(%dma_start3A_17 : memref<32x1024xf32, #tpu.memory_space<vmem>>) target_semaphore(%dma_start3A_13 : memref<!tpu.dma_semaphore, #tpu.memory_space<semaphore_mem>>)
    %add3A_20 = arith.constant 64 : i32
    %add3A_21 = arith.addi %mul3A_2, %add3A_20 : i32
    %dma_start3A_22 = arith.constant 1 : i32
    %dma_start3A_23 = arith.constant 1 : i32
    %dma_start3A_24 = arith.constant 0 : i32
    %dma_start3A_25 = arith.constant 0 : i32
    %dma_start3A_26 = tpu.memref_slice %arg4[%dma_start3A_22, %dma_start3A_24, %dma_start3A_25] : memref<2x32x1024xf32, #tpu.memory_space<vmem>> -> memref<1x32x1024xf32, #tpu.memory_space<vmem>>
    %dma_start3A_27 = tpu.memref_squeeze %dma_start3A_26 : memref<1x32x1024xf32, #tpu.memory_space<vmem>> -> memref<32x1024xf32, #tpu.memory_space<vmem>>
    %dma_start3A_28 = arith.constant 0 : i32
    %dma_start3A_29 = tpu.memref_slice %arg2[%add3A_21, %dma_start3A_28] : memref<8192x1024xf32, #tpu.memory_space<hbm>> -> memref<32x1024xf32, #tpu.memory_space<hbm>>
    %dma_start3A_30 = tpu.memref_slice %arg6[%dma_start3A_23] : memref<2x!tpu.dma_semaphore, #tpu.memory_space<semaphore_mem>> -> memref<1x!tpu.dma_semaphore, #tpu.memory_space<semaphore_mem>>
    %dma_start3A_31 = tpu.memref_squeeze %dma_start3A_30 : memref<1x!tpu.dma_semaphore, #tpu.memory_space<semaphore_mem>> -> memref<!tpu.dma_semaphore, #tpu.memory_space<semaphore_mem>>
    %dma_start3A_32 = arith.constant 0 : i32
    %dma_start3A_33 = arith.constant 0 : i32
    %dma_start3A_34 = tpu.memref_slice %arg4[%dma_start3A_22, %dma_start3A_32, %dma_start3A_33] : memref<2x32x1024xf32, #tpu.memory_space<vmem>> -> memref<1x32x1024xf32, #tpu.memory_space<vmem>>
    %dma_start3A_35 = tpu.memref_squeeze %dma_start3A_34 : memref<1x32x1024xf32, #tpu.memory_space<vmem>> -> memref<32x1024xf32, #tpu.memory_space<vmem>>
    %dma_start3A_36 = arith.constant 0 : i32
    %dma_start3A_37 = tpu.memref_slice %arg2[%add3A_21, %dma_start3A_36] : memref<8192x1024xf32, #tpu.memory_space<hbm>> -> memref<32x1024xf32, #tpu.memory_space<hbm>>
    tpu.enqueue_dma source(%dma_start3A_37 : memref<32x1024xf32, #tpu.memory_space<hbm>>) target(%dma_start3A_35 : memref<32x1024xf32, #tpu.memory_space<vmem>>) target_semaphore(%dma_start3A_31 : memref<!tpu.dma_semaphore, #tpu.memory_space<semaphore_mem>>)
    %add3A_38 = arith.constant 32 : i32
    %add3A_39 = arith.addi %mul3A_2, %add3A_38 : i32
    %dma_start3A_40 = arith.constant 0 : i32
    %dma_start3A_41 = arith.constant 0 : i32
    %dma_start3A_42 = tpu.memref_slice %arg8[%dma_start3A_41] : memref<2x!tpu.dma_semaphore, #tpu.memory_space<semaphore_mem>> -> memref<1x!tpu.dma_semaphore, #tpu.memory_space<semaphore_mem>>
    %dma_start3A_43 = tpu.memref_squeeze %dma_start3A_42 : memref<1x!tpu.dma_semaphore, #tpu.memory_space<semaphore_mem>> -> memref<!tpu.dma_semaphore, #tpu.memory_space<semaphore_mem>>
    %dma_start3A_44 = arith.constant 0 : i32
    %dma_start3A_45 = arith.constant 0 : i32
    %dma_start3A_46 = tpu.memref_slice %arg5[%arg1, %dma_start3A_40, %dma_start3A_44, %dma_start3A_45] : memref<16x2x32x1024xf32, #tpu.memory_space<vmem_shared>> -> memref<1x1x32x1024xf32, #tpu.memory_space<vmem_shared>>
    %dma_start3A_47 = tpu.memref_squeeze %dma_start3A_46 : memref<1x1x32x1024xf32, #tpu.memory_space<vmem_shared>> -> memref<32x1024xf32, #tpu.memory_space<vmem_shared>>
    %dma_start3A_48 = arith.constant 0 : i32
    %dma_start3A_49 = tpu.memref_slice %arg2[%add3A_39, %dma_start3A_48] : memref<8192x1024xf32, #tpu.memory_space<hbm>> -> memref<32x1024xf32, #tpu.memory_space<hbm>>
    tpu.enqueue_dma source(%dma_start3A_49 : memref<32x1024xf32, #tpu.memory_space<hbm>>) target(%dma_start3A_47 : memref<32x1024xf32, #tpu.memory_space<vmem_shared>>) target_semaphore(%dma_start3A_43 : memref<!tpu.dma_semaphore, #tpu.memory_space<semaphore_mem>>)
    %add3A_50 = arith.constant 96 : i32
    %add3A_51 = arith.addi %mul3A_2, %add3A_50 : i32
    %dma_start3A_52 = arith.constant 1 : i32
    %dma_start3A_53 = arith.constant 1 : i32
    %dma_start3A_54 = tpu.memref_slice %arg8[%dma_start3A_53] : memref<2x!tpu.dma_semaphore, #tpu.memory_space<semaphore_mem>> -> memref<1x!tpu.dma_semaphore, #tpu.memory_space<semaphore_mem>>
    %dma_start3A_55 = tpu.memref_squeeze %dma_start3A_54 : memref<1x!tpu.dma_semaphore, #tpu.memory_space<semaphore_mem>> -> memref<!tpu.dma_semaphore, #tpu.memory_space<semaphore_mem>>
    %dma_start3A_56 = arith.constant 0 : i32
    %dma_start3A_57 = arith.constant 0 : i32
    %dma_start3A_58 = tpu.memref_slice %arg5[%arg1, %dma_start3A_52, %dma_start3A_56, %dma_start3A_57] : memref<16x2x32x1024xf32, #tpu.memory_space<vmem_shared>> -> memref<1x1x32x1024xf32, #tpu.memory_space<vmem_shared>>
    %dma_start3A_59 = tpu.memref_squeeze %dma_start3A_58 : memref<1x1x32x1024xf32, #tpu.memory_space<vmem_shared>> -> memref<32x1024xf32, #tpu.memory_space<vmem_shared>>
    %dma_start3A_60 = arith.constant 0 : i32
    %dma_start3A_61 = tpu.memref_slice %arg2[%add3A_51, %dma_start3A_60] : memref<8192x1024xf32, #tpu.memory_space<hbm>> -> memref<32x1024xf32, #tpu.memory_space<hbm>>
    tpu.enqueue_dma source(%dma_start3A_61 : memref<32x1024xf32, #tpu.memory_space<hbm>>) target(%dma_start3A_59 : memref<32x1024xf32, #tpu.memory_space<vmem_shared>>) target_semaphore(%dma_start3A_55 : memref<!tpu.dma_semaphore, #tpu.memory_space<semaphore_mem>>)
    %dma_wait3A = arith.constant 0 : i32
    %dma_wait3A_62 = arith.constant 0 : i32
    %dma_wait3A_63 = arith.constant 0 : i32
    %dma_wait3A_64 = arith.constant 0 : i32
    %dma_wait3A_65 = tpu.memref_slice %arg4[%dma_wait3A, %dma_wait3A_63, %dma_wait3A_64] : memref<2x32x1024xf32, #tpu.memory_space<vmem>> -> memref<1x32x1024xf32, #tpu.memory_space<vmem>>
    %dma_wait3A_66 = tpu.memref_squeeze %dma_wait3A_65 : memref<1x32x1024xf32, #tpu.memory_space<vmem>> -> memref<32x1024xf32, #tpu.memory_space<vmem>>
    %dma_wait3A_67 = arith.constant 0 : i32
    %dma_wait3A_68 = tpu.memref_slice %arg2[%add3A_4, %dma_wait3A_67] : memref<8192x1024xf32, #tpu.memory_space<hbm>> -> memref<32x1024xf32, #tpu.memory_space<hbm>>
    %dma_wait3A_69 = tpu.memref_slice %arg6[%dma_wait3A_62] : memref<2x!tpu.dma_semaphore, #tpu.memory_space<semaphore_mem>> -> memref<1x!tpu.dma_semaphore, #tpu.memory_space<semaphore_mem>>
    %dma_wait3A_70 = tpu.memref_squeeze %dma_wait3A_69 : memref<1x!tpu.dma_semaphore, #tpu.memory_space<semaphore_mem>> -> memref<!tpu.dma_semaphore, #tpu.memory_space<semaphore_mem>>
    %dma_wait3A_71 = arith.constant 0 : i32
    %dma_wait3A_72 = arith.constant 0 : i32
    %dma_wait3A_73 = tpu.memref_slice %arg4[%dma_wait3A, %dma_wait3A_71, %dma_wait3A_72] : memref<2x32x1024xf32, #tpu.memory_space<vmem>> -> memref<1x32x1024xf32, #tpu.memory_space<vmem>>
    %dma_wait3A_74 = tpu.memref_squeeze %dma_wait3A_73 : memref<1x32x1024xf32, #tpu.memory_space<vmem>> -> memref<32x1024xf32, #tpu.memory_space<vmem>>
    %dma_wait3A_75 = arith.constant 0 : i32
    %dma_wait3A_76 = tpu.memref_slice %arg2[%add3A_4, %dma_wait3A_75] : memref<8192x1024xf32, #tpu.memory_space<hbm>> -> memref<32x1024xf32, #tpu.memory_space<hbm>>
    tpu.wait_dma2 semaphore(%dma_wait3A_70 : memref<!tpu.dma_semaphore, #tpu.memory_space<semaphore_mem>>) src(%dma_wait3A_76 : memref<32x1024xf32, #tpu.memory_space<hbm>>) dst(%dma_wait3A_74 : memref<32x1024xf32, #tpu.memory_space<vmem>>)
    %add3A_77 = arith.constant 0 : i32
    %add3A_78 = arith.addi %mul3A_2, %add3A_77 : i32
    %dma_start3A_79 = arith.constant 0 : i32
    %dma_start3A_80 = arith.constant 0 : i32
    %dma_start3A_81 = arith.constant 0 : i32
    %dma_start3A_82 = arith.constant 0 : i32
    %dma_start3A_83 = tpu.memref_slice %arg4[%dma_start3A_79, %dma_start3A_81, %dma_start3A_82] : memref<2x32x1024xf32, #tpu.memory_space<vmem>> -> memref<1x32x1024xf32, #tpu.memory_space<vmem>>
    %dma_start3A_84 = tpu.memref_squeeze %dma_start3A_83 : memref<1x32x1024xf32, #tpu.memory_space<vmem>> -> memref<32x1024xf32, #tpu.memory_space<vmem>>
    %dma_start3A_85 = arith.constant 0 : i32
    %dma_start3A_86 = tpu.memref_slice %arg3[%add3A_78, %dma_start3A_85] : memref<8192x1024xf32, #tpu.memory_space<hbm>> -> memref<32x1024xf32, #tpu.memory_space<hbm>>
    %dma_start3A_87 = tpu.memref_slice %arg7[%dma_start3A_80] : memref<2x!tpu.dma_semaphore, #tpu.memory_space<semaphore_mem>> -> memref<1x!tpu.dma_semaphore, #tpu.memory_space<semaphore_mem>>
    %dma_start3A_88 = tpu.memref_squeeze %dma_start3A_87 : memref<1x!tpu.dma_semaphore, #tpu.memory_space<semaphore_mem>> -> memref<!tpu.dma_semaphore, #tpu.memory_space<semaphore_mem>>
    %dma_start3A_89 = arith.constant 0 : i32
    %dma_start3A_90 = tpu.memref_slice %arg3[%add3A_78, %dma_start3A_89] : memref<8192x1024xf32, #tpu.memory_space<hbm>> -> memref<32x1024xf32, #tpu.memory_space<hbm>>
    %dma_start3A_91 = arith.constant 0 : i32
    %dma_start3A_92 = arith.constant 0 : i32
    %dma_start3A_93 = tpu.memref_slice %arg4[%dma_start3A_79, %dma_start3A_91, %dma_start3A_92] : memref<2x32x1024xf32, #tpu.memory_space<vmem>> -> memref<1x32x1024xf32, #tpu.memory_space<vmem>>
    %dma_start3A_94 = tpu.memref_squeeze %dma_start3A_93 : memref<1x32x1024xf32, #tpu.memory_space<vmem>> -> memref<32x1024xf32, #tpu.memory_space<vmem>>
    tpu.enqueue_dma source(%dma_start3A_94 : memref<32x1024xf32, #tpu.memory_space<vmem>>) target(%dma_start3A_90 : memref<32x1024xf32, #tpu.memory_space<hbm>>) target_semaphore(%dma_start3A_88 : memref<!tpu.dma_semaphore, #tpu.memory_space<semaphore_mem>>)
    %dma_wait3A_95 = arith.constant 0 : i32
    %dma_wait3A_96 = arith.constant 0 : i32
    %dma_wait3A_97 = tpu.memref_slice %arg8[%dma_wait3A_96] : memref<2x!tpu.dma_semaphore, #tpu.memory_space<semaphore_mem>> -> memref<1x!tpu.dma_semaphore, #tpu.memory_space<semaphore_mem>>
    %dma_wait3A_98 = tpu.memref_squeeze %dma_wait3A_97 : memref<1x!tpu.dma_semaphore, #tpu.memory_space<semaphore_mem>> -> memref<!tpu.dma_semaphore, #tpu.memory_space<semaphore_mem>>
    %dma_wait3A_99 = arith.constant 0 : i32
    %dma_wait3A_100 = arith.constant 0 : i32
    %dma_wait3A_101 = tpu.memref_slice %arg5[%arg1, %dma_wait3A_95, %dma_wait3A_99, %dma_wait3A_100] : memref<16x2x32x1024xf32, #tpu.memory_space<vmem_shared>> -> memref<1x1x32x1024xf32, #tpu.memory_space<vmem_shared>>
    %dma_wait3A_102 = tpu.memref_squeeze %dma_wait3A_101 : memref<1x1x32x1024xf32, #tpu.memory_space<vmem_shared>> -> memref<32x1024xf32, #tpu.memory_space<vmem_shared>>
    %dma_wait3A_103 = arith.constant 0 : i32
    %dma_wait3A_104 = tpu.memref_slice %arg2[%add3A_39, %dma_wait3A_103] : memref<8192x1024xf32, #tpu.memory_space<hbm>> -> memref<32x1024xf32, #tpu.memory_space<hbm>>
    tpu.wait_dma2 semaphore(%dma_wait3A_98 : memref<!tpu.dma_semaphore, #tpu.memory_space<semaphore_mem>>) src(%dma_wait3A_104 : memref<32x1024xf32, #tpu.memory_space<hbm>>) dst(%dma_wait3A_102 : memref<32x1024xf32, #tpu.memory_space<vmem_shared>>)
    %add3A_105 = arith.constant 32 : i32
    %add3A_106 = arith.addi %mul3A_2, %add3A_105 : i32
    %dma_start3A_107 = arith.constant 0 : i32
    %dma_start3A_108 = arith.constant 0 : i32
    %dma_start3A_109 = tpu.memref_slice %arg9[%dma_start3A_108] : memref<2x!tpu.dma_semaphore, #tpu.memory_space<semaphore_mem>> -> memref<1x!tpu.dma_semaphore, #tpu.memory_space<semaphore_mem>>
    %dma_start3A_110 = tpu.memref_squeeze %dma_start3A_109 : memref<1x!tpu.dma_semaphore, #tpu.memory_space<semaphore_mem>> -> memref<!tpu.dma_semaphore, #tpu.memory_space<semaphore_mem>>
    %dma_start3A_111 = arith.constant 0 : i32
    %dma_start3A_112 = tpu.memref_slice %arg3[%add3A_106, %dma_start3A_111] : memref<8192x1024xf32, #tpu.memory_space<hbm>> -> memref<32x1024xf32, #tpu.memory_space<hbm>>
    %dma_start3A_113 = arith.constant 0 : i32
    %dma_start3A_114 = arith.constant 0 : i32
    %dma_start3A_115 = tpu.memref_slice %arg5[%arg1, %dma_start3A_107, %dma_start3A_113, %dma_start3A_114] : memref<16x2x32x1024xf32, #tpu.memory_space<vmem_shared>> -> memref<1x1x32x1024xf32, #tpu.memory_space<vmem_shared>>
    %dma_start3A_116 = tpu.memref_squeeze %dma_start3A_115 : memref<1x1x32x1024xf32, #tpu.memory_space<vmem_shared>> -> memref<32x1024xf32, #tpu.memory_space<vmem_shared>>
    tpu.enqueue_dma source(%dma_start3A_116 : memref<32x1024xf32, #tpu.memory_space<vmem_shared>>) target(%dma_start3A_112 : memref<32x1024xf32, #tpu.memory_space<hbm>>) target_semaphore(%dma_start3A_110 : memref<!tpu.dma_semaphore, #tpu.memory_space<semaphore_mem>>)
    %dma_wait3A_117 = arith.constant 0 : i32
    %dma_wait3A_118 = arith.constant 0 : i32
    %dma_wait3A_119 = arith.constant 0 : i32
    %dma_wait3A_120 = arith.constant 0 : i32
    %dma_wait3A_121 = tpu.memref_slice %arg4[%dma_wait3A_117, %dma_wait3A_119, %dma_wait3A_120] : memref<2x32x1024xf32, #tpu.memory_space<vmem>> -> memref<1x32x1024xf32, #tpu.memory_space<vmem>>
    %dma_wait3A_122 = tpu.memref_squeeze %dma_wait3A_121 : memref<1x32x1024xf32, #tpu.memory_space<vmem>> -> memref<32x1024xf32, #tpu.memory_space<vmem>>
    %dma_wait3A_123 = arith.constant 0 : i32
    %dma_wait3A_124 = tpu.memref_slice %arg3[%add3A_78, %dma_wait3A_123] : memref<8192x1024xf32, #tpu.memory_space<hbm>> -> memref<32x1024xf32, #tpu.memory_space<hbm>>
    %dma_wait3A_125 = tpu.memref_slice %arg7[%dma_wait3A_118] : memref<2x!tpu.dma_semaphore, #tpu.memory_space<semaphore_mem>> -> memref<1x!tpu.dma_semaphore, #tpu.memory_space<semaphore_mem>>
    %dma_wait3A_126 = tpu.memref_squeeze %dma_wait3A_125 : memref<1x!tpu.dma_semaphore, #tpu.memory_space<semaphore_mem>> -> memref<!tpu.dma_semaphore, #tpu.memory_space<semaphore_mem>>
    %dma_wait3A_127 = arith.constant 0 : i32
    %dma_wait3A_128 = tpu.memref_slice %arg3[%add3A_78, %dma_wait3A_127] : memref<8192x1024xf32, #tpu.memory_space<hbm>> -> memref<32x1024xf32, #tpu.memory_space<hbm>>
    %dma_wait3A_129 = arith.constant 0 : i32
    %dma_wait3A_130 = arith.constant 0 : i32
    %dma_wait3A_131 = tpu.memref_slice %arg4[%dma_wait3A_117, %dma_wait3A_129, %dma_wait3A_130] : memref<2x32x1024xf32, #tpu.memory_space<vmem>> -> memref<1x32x1024xf32, #tpu.memory_space<vmem>>
    %dma_wait3A_132 = tpu.memref_squeeze %dma_wait3A_131 : memref<1x32x1024xf32, #tpu.memory_space<vmem>> -> memref<32x1024xf32, #tpu.memory_space<vmem>>
    tpu.wait_dma2 semaphore(%dma_wait3A_126 : memref<!tpu.dma_semaphore, #tpu.memory_space<semaphore_mem>>) src(%dma_wait3A_132 : memref<32x1024xf32, #tpu.memory_space<vmem>>) dst(%dma_wait3A_128 : memref<32x1024xf32, #tpu.memory_space<hbm>>)
    %add3A_133 = arith.constant 128 : i32
    %add3A_134 = arith.addi %mul3A_2, %add3A_133 : i32
    %dma_start3A_135 = arith.constant 0 : i32
    %dma_start3A_136 = arith.constant 0 : i32
    %dma_start3A_137 = arith.constant 0 : i32
    %dma_start3A_138 = arith.constant 0 : i32
    %dma_start3A_139 = tpu.memref_slice %arg4[%dma_start3A_135, %dma_start3A_137, %dma_start3A_138] : memref<2x32x1024xf32, #tpu.memory_space<vmem>> -> memref<1x32x1024xf32, #tpu.memory_space<vmem>>
    %dma_start3A_140 = tpu.memref_squeeze %dma_start3A_139 : memref<1x32x1024xf32, #tpu.memory_space<vmem>> -> memref<32x1024xf32, #tpu.memory_space<vmem>>
    %dma_start3A_141 = arith.constant 0 : i32
    %dma_start3A_142 = tpu.memref_slice %arg2[%add3A_134, %dma_start3A_141] : memref<8192x1024xf32, #tpu.memory_space<hbm>> -> memref<32x1024xf32, #tpu.memory_space<hbm>>
    %dma_start3A_143 = tpu.memref_slice %arg6[%dma_start3A_136] : memref<2x!tpu.dma_semaphore, #tpu.memory_space<semaphore_mem>> -> memref<1x!tpu.dma_semaphore, #tpu.memory_space<semaphore_mem>>
    %dma_start3A_144 = tpu.memref_squeeze %dma_start3A_143 : memref<1x!tpu.dma_semaphore, #tpu.memory_space<semaphore_mem>> -> memref<!tpu.dma_semaphore, #tpu.memory_space<semaphore_mem>>
    %dma_start3A_145 = arith.constant 0 : i32
    %dma_start3A_146 = arith.constant 0 : i32
    %dma_start3A_147 = tpu.memref_slice %arg4[%dma_start3A_135, %dma_start3A_145, %dma_start3A_146] : memref<2x32x1024xf32, #tpu.memory_space<vmem>> -> memref<1x32x1024xf32, #tpu.memory_space<vmem>>
    %dma_start3A_148 = tpu.memref_squeeze %dma_start3A_147 : memref<1x32x1024xf32, #tpu.memory_space<vmem>> -> memref<32x1024xf32, #tpu.memory_space<vmem>>
    %dma_start3A_149 = arith.constant 0 : i32
    %dma_start3A_150 = tpu.memref_slice %arg2[%add3A_134, %dma_start3A_149] : memref<8192x1024xf32, #tpu.memory_space<hbm>> -> memref<32x1024xf32, #tpu.memory_space<hbm>>
    tpu.enqueue_dma source(%dma_start3A_150 : memref<32x1024xf32, #tpu.memory_space<hbm>>) target(%dma_start3A_148 : memref<32x1024xf32, #tpu.memory_space<vmem>>) target_semaphore(%dma_start3A_144 : memref<!tpu.dma_semaphore, #tpu.memory_space<semaphore_mem>>)
    %dma_wait3A_151 = arith.constant 0 : i32
    %dma_wait3A_152 = arith.constant 0 : i32
    %dma_wait3A_153 = tpu.memref_slice %arg9[%dma_wait3A_152] : memref<2x!tpu.dma_semaphore, #tpu.memory_space<semaphore_mem>> -> memref<1x!tpu.dma_semaphore, #tpu.memory_space<semaphore_mem>>
    %dma_wait3A_154 = tpu.memref_squeeze %dma_wait3A_153 : memref<1x!tpu.dma_semaphore, #tpu.memory_space<semaphore_mem>> -> memref<!tpu.dma_semaphore, #tpu.memory_space<semaphore_mem>>
    %dma_wait3A_155 = arith.constant 0 : i32
    %dma_wait3A_156 = tpu.memref_slice %arg3[%add3A_106, %dma_wait3A_155] : memref<8192x1024xf32, #tpu.memory_space<hbm>> -> memref<32x1024xf32, #tpu.memory_space<hbm>>
    %dma_wait3A_157 = arith.constant 0 : i32
    %dma_wait3A_158 = arith.constant 0 : i32
    %dma_wait3A_159 = tpu.memref_slice %arg5[%arg1, %dma_wait3A_151, %dma_wait3A_157, %dma_wait3A_158] : memref<16x2x32x1024xf32, #tpu.memory_space<vmem_shared>> -> memref<1x1x32x1024xf32, #tpu.memory_space<vmem_shared>>
    %dma_wait3A_160 = tpu.memref_squeeze %dma_wait3A_159 : memref<1x1x32x1024xf32, #tpu.memory_space<vmem_shared>> -> memref<32x1024xf32, #tpu.memory_space<vmem_shared>>
    tpu.wait_dma2 semaphore(%dma_wait3A_154 : memref<!tpu.dma_semaphore, #tpu.memory_space<semaphore_mem>>) src(%dma_wait3A_160 : memref<32x1024xf32, #tpu.memory_space<vmem_shared>>) dst(%dma_wait3A_156 : memref<32x1024xf32, #tpu.memory_space<hbm>>)
    %add3A_161 = arith.constant 160 : i32
    %add3A_162 = arith.addi %mul3A_2, %add3A_161 : i32
    %dma_start3A_163 = arith.constant 0 : i32
    %dma_start3A_164 = arith.constant 0 : i32
    %dma_start3A_165 = tpu.memref_slice %arg8[%dma_start3A_164] : memref<2x!tpu.dma_semaphore, #tpu.memory_space<semaphore_mem>> -> memref<1x!tpu.dma_semaphore, #tpu.memory_space<semaphore_mem>>
    %dma_start3A_166 = tpu.memref_squeeze %dma_start3A_165 : memref<1x!tpu.dma_semaphore, #tpu.memory_space<semaphore_mem>> -> memref<!tpu.dma_semaphore, #tpu.memory_space<semaphore_mem>>
    %dma_start3A_167 = arith.constant 0 : i32
    %dma_start3A_168 = arith.constant 0 : i32
    %dma_start3A_169 = tpu.memref_slice %arg5[%arg1, %dma_start3A_163, %dma_start3A_167, %dma_start3A_168] : memref<16x2x32x1024xf32, #tpu.memory_space<vmem_shared>> -> memref<1x1x32x1024xf32, #tpu.memory_space<vmem_shared>>
    %dma_start3A_170 = tpu.memref_squeeze %dma_start3A_169 : memref<1x1x32x1024xf32, #tpu.memory_space<vmem_shared>> -> memref<32x1024xf32, #tpu.memory_space<vmem_shared>>
    %dma_start3A_171 = arith.constant 0 : i32
    %dma_start3A_172 = tpu.memref_slice %arg2[%add3A_162, %dma_start3A_171] : memref<8192x1024xf32, #tpu.memory_space<hbm>> -> memref<32x1024xf32, #tpu.memory_space<hbm>>
    tpu.enqueue_dma source(%dma_start3A_172 : memref<32x1024xf32, #tpu.memory_space<hbm>>) target(%dma_start3A_170 : memref<32x1024xf32, #tpu.memory_space<vmem_shared>>) target_semaphore(%dma_start3A_166 : memref<!tpu.dma_semaphore, #tpu.memory_space<semaphore_mem>>)
    %dma_wait3A_173 = arith.constant 1 : i32
    %dma_wait3A_174 = arith.constant 1 : i32
    %dma_wait3A_175 = arith.constant 0 : i32
    %dma_wait3A_176 = arith.constant 0 : i32
    %dma_wait3A_177 = tpu.memref_slice %arg4[%dma_wait3A_173, %dma_wait3A_175, %dma_wait3A_176] : memref<2x32x1024xf32, #tpu.memory_space<vmem>> -> memref<1x32x1024xf32, #tpu.memory_space<vmem>>
    %dma_wait3A_178 = tpu.memref_squeeze %dma_wait3A_177 : memref<1x32x1024xf32, #tpu.memory_space<vmem>> -> memref<32x1024xf32, #tpu.memory_space<vmem>>
    %dma_wait3A_179 = arith.constant 0 : i32
    %dma_wait3A_180 = tpu.memref_slice %arg2[%add3A_21, %dma_wait3A_179] : memref<8192x1024xf32, #tpu.memory_space<hbm>> -> memref<32x1024xf32, #tpu.memory_space<hbm>>
    %dma_wait3A_181 = tpu.memref_slice %arg6[%dma_wait3A_174] : memref<2x!tpu.dma_semaphore, #tpu.memory_space<semaphore_mem>> -> memref<1x!tpu.dma_semaphore, #tpu.memory_space<semaphore_mem>>
    %dma_wait3A_182 = tpu.memref_squeeze %dma_wait3A_181 : memref<1x!tpu.dma_semaphore, #tpu.memory_space<semaphore_mem>> -> memref<!tpu.dma_semaphore, #tpu.memory_space<semaphore_mem>>
    %dma_wait3A_183 = arith.constant 0 : i32
    %dma_wait3A_184 = arith.constant 0 : i32
    %dma_wait3A_185 = tpu.memref_slice %arg4[%dma_wait3A_173, %dma_wait3A_183, %dma_wait3A_184] : memref<2x32x1024xf32, #tpu.memory_space<vmem>> -> memref<1x32x1024xf32, #tpu.memory_space<vmem>>
    %dma_wait3A_186 = tpu.memref_squeeze %dma_wait3A_185 : memref<1x32x1024xf32, #tpu.memory_space<vmem>> -> memref<32x1024xf32, #tpu.memory_space<vmem>>
    %dma_wait3A_187 = arith.constant 0 : i32
    %dma_wait3A_188 = tpu.memref_slice %arg2[%add3A_21, %dma_wait3A_187] : memref<8192x1024xf32, #tpu.memory_space<hbm>> -> memref<32x1024xf32, #tpu.memory_space<hbm>>
    tpu.wait_dma2 semaphore(%dma_wait3A_182 : memref<!tpu.dma_semaphore, #tpu.memory_space<semaphore_mem>>) src(%dma_wait3A_188 : memref<32x1024xf32, #tpu.memory_space<hbm>>) dst(%dma_wait3A_186 : memref<32x1024xf32, #tpu.memory_space<vmem>>)
    %add3A_189 = arith.constant 64 : i32
    %add3A_190 = arith.addi %mul3A_2, %add3A_189 : i32
    %dma_start3A_191 = arith.constant 1 : i32
    %dma_start3A_192 = arith.constant 1 : i32
    %dma_start3A_193 = arith.constant 0 : i32
    %dma_start3A_194 = arith.constant 0 : i32
    %dma_start3A_195 = tpu.memref_slice %arg4[%dma_start3A_191, %dma_start3A_193, %dma_start3A_194] : memref<2x32x1024xf32, #tpu.memory_space<vmem>> -> memref<1x32x1024xf32, #tpu.memory_space<vmem>>
    %dma_start3A_196 = tpu.memref_squeeze %dma_start3A_195 : memref<1x32x1024xf32, #tpu.memory_space<vmem>> -> memref<32x1024xf32, #tpu.memory_space<vmem>>
    %dma_start3A_197 = arith.constant 0 : i32
    %dma_start3A_198 = tpu.memref_slice %arg3[%add3A_190, %dma_start3A_197] : memref<8192x1024xf32, #tpu.memory_space<hbm>> -> memref<32x1024xf32, #tpu.memory_space<hbm>>
    %dma_start3A_199 = tpu.memref_slice %arg7[%dma_start3A_192] : memref<2x!tpu.dma_semaphore, #tpu.memory_space<semaphore_mem>> -> memref<1x!tpu.dma_semaphore, #tpu.memory_space<semaphore_mem>>
    %dma_start3A_200 = tpu.memref_squeeze %dma_start3A_199 : memref<1x!tpu.dma_semaphore, #tpu.memory_space<semaphore_mem>> -> memref<!tpu.dma_semaphore, #tpu.memory_space<semaphore_mem>>
    %dma_start3A_201 = arith.constant 0 : i32
    %dma_start3A_202 = tpu.memref_slice %arg3[%add3A_190, %dma_start3A_201] : memref<8192x1024xf32, #tpu.memory_space<hbm>> -> memref<32x1024xf32, #tpu.memory_space<hbm>>
    %dma_start3A_203 = arith.constant 0 : i32
    %dma_start3A_204 = arith.constant 0 : i32
    %dma_start3A_205 = tpu.memref_slice %arg4[%dma_start3A_191, %dma_start3A_203, %dma_start3A_204] : memref<2x32x1024xf32, #tpu.memory_space<vmem>> -> memref<1x32x1024xf32, #tpu.memory_space<vmem>>
    %dma_start3A_206 = tpu.memref_squeeze %dma_start3A_205 : memref<1x32x1024xf32, #tpu.memory_space<vmem>> -> memref<32x1024xf32, #tpu.memory_space<vmem>>
    tpu.enqueue_dma source(%dma_start3A_206 : memref<32x1024xf32, #tpu.memory_space<vmem>>) target(%dma_start3A_202 : memref<32x1024xf32, #tpu.memory_space<hbm>>) target_semaphore(%dma_start3A_200 : memref<!tpu.dma_semaphore, #tpu.memory_space<semaphore_mem>>)
    %dma_wait3A_207 = arith.constant 1 : i32
    %dma_wait3A_208 = arith.constant 1 : i32
    %dma_wait3A_209 = tpu.memref_slice %arg8[%dma_wait3A_208] : memref<2x!tpu.dma_semaphore, #tpu.memory_space<semaphore_mem>> -> memref<1x!tpu.dma_semaphore, #tpu.memory_space<semaphore_mem>>
    %dma_wait3A_210 = tpu.memref_squeeze %dma_wait3A_209 : memref<1x!tpu.dma_semaphore, #tpu.memory_space<semaphore_mem>> -> memref<!tpu.dma_semaphore, #tpu.memory_space<semaphore_mem>>
    %dma_wait3A_211 = arith.constant 0 : i32
    %dma_wait3A_212 = arith.constant 0 : i32
    %dma_wait3A_213 = tpu.memref_slice %arg5[%arg1, %dma_wait3A_207, %dma_wait3A_211, %dma_wait3A_212] : memref<16x2x32x1024xf32, #tpu.memory_space<vmem_shared>> -> memref<1x1x32x1024xf32, #tpu.memory_space<vmem_shared>>
    %dma_wait3A_214 = tpu.memref_squeeze %dma_wait3A_213 : memref<1x1x32x1024xf32, #tpu.memory_space<vmem_shared>> -> memref<32x1024xf32, #tpu.memory_space<vmem_shared>>
    %dma_wait3A_215 = arith.constant 0 : i32
    %dma_wait3A_216 = tpu.memref_slice %arg2[%add3A_51, %dma_wait3A_215] : memref<8192x1024xf32, #tpu.memory_space<hbm>> -> memref<32x1024xf32, #tpu.memory_space<hbm>>
    tpu.wait_dma2 semaphore(%dma_wait3A_210 : memref<!tpu.dma_semaphore, #tpu.memory_space<semaphore_mem>>) src(%dma_wait3A_216 : memref<32x1024xf32, #tpu.memory_space<hbm>>) dst(%dma_wait3A_214 : memref<32x1024xf32, #tpu.memory_space<vmem_shared>>)
    %add3A_217 = arith.constant 96 : i32
    %add3A_218 = arith.addi %mul3A_2, %add3A_217 : i32
    %dma_start3A_219 = arith.constant 1 : i32
    %dma_start3A_220 = arith.constant 1 : i32
    %dma_start3A_221 = tpu.memref_slice %arg9[%dma_start3A_220] : memref<2x!tpu.dma_semaphore, #tpu.memory_space<semaphore_mem>> -> memref<1x!tpu.dma_semaphore, #tpu.memory_space<semaphore_mem>>
    %dma_start3A_222 = tpu.memref_squeeze %dma_start3A_221 : memref<1x!tpu.dma_semaphore, #tpu.memory_space<semaphore_mem>> -> memref<!tpu.dma_semaphore, #tpu.memory_space<semaphore_mem>>
    %dma_start3A_223 = arith.constant 0 : i32
    %dma_start3A_224 = tpu.memref_slice %arg3[%add3A_218, %dma_start3A_223] : memref<8192x1024xf32, #tpu.memory_space<hbm>> -> memref<32x1024xf32, #tpu.memory_space<hbm>>
    %dma_start3A_225 = arith.constant 0 : i32
    %dma_start3A_226 = arith.constant 0 : i32
    %dma_start3A_227 = tpu.memref_slice %arg5[%arg1, %dma_start3A_219, %dma_start3A_225, %dma_start3A_226] : memref<16x2x32x1024xf32, #tpu.memory_space<vmem_shared>> -> memref<1x1x32x1024xf32, #tpu.memory_space<vmem_shared>>
    %dma_start3A_228 = tpu.memref_squeeze %dma_start3A_227 : memref<1x1x32x1024xf32, #tpu.memory_space<vmem_shared>> -> memref<32x1024xf32, #tpu.memory_space<vmem_shared>>
    tpu.enqueue_dma source(%dma_start3A_228 : memref<32x1024xf32, #tpu.memory_space<vmem_shared>>) target(%dma_start3A_224 : memref<32x1024xf32, #tpu.memory_space<hbm>>) target_semaphore(%dma_start3A_222 : memref<!tpu.dma_semaphore, #tpu.memory_space<semaphore_mem>>)
    %dma_wait3A_229 = arith.constant 1 : i32
    %dma_wait3A_230 = arith.constant 1 : i32
    %dma_wait3A_231 = arith.constant 0 : i32
    %dma_wait3A_232 = arith.constant 0 : i32
    %dma_wait3A_233 = tpu.memref_slice %arg4[%dma_wait3A_229, %dma_wait3A_231, %dma_wait3A_232] : memref<2x32x1024xf32, #tpu.memory_space<vmem>> -> memref<1x32x1024xf32, #tpu.memory_space<vmem>>
    %dma_wait3A_234 = tpu.memref_squeeze %dma_wait3A_233 : memref<1x32x1024xf32, #tpu.memory_space<vmem>> -> memref<32x1024xf32, #tpu.memory_space<vmem>>
    %dma_wait3A_235 = arith.constant 0 : i32
    %dma_wait3A_236 = tpu.memref_slice %arg3[%add3A_190, %dma_wait3A_235] : memref<8192x1024xf32, #tpu.memory_space<hbm>> -> memref<32x1024xf32, #tpu.memory_space<hbm>>
    %dma_wait3A_237 = tpu.memref_slice %arg7[%dma_wait3A_230] : memref<2x!tpu.dma_semaphore, #tpu.memory_space<semaphore_mem>> -> memref<1x!tpu.dma_semaphore, #tpu.memory_space<semaphore_mem>>
    %dma_wait3A_238 = tpu.memref_squeeze %dma_wait3A_237 : memref<1x!tpu.dma_semaphore, #tpu.memory_space<semaphore_mem>> -> memref<!tpu.dma_semaphore, #tpu.memory_space<semaphore_mem>>
    %dma_wait3A_239 = arith.constant 0 : i32
    %dma_wait3A_240 = tpu.memref_slice %arg3[%add3A_190, %dma_wait3A_239] : memref<8192x1024xf32, #tpu.memory_space<hbm>> -> memref<32x1024xf32, #tpu.memory_space<hbm>>
    %dma_wait3A_241 = arith.constant 0 : i32
    %dma_wait3A_242 = arith.constant 0 : i32
    %dma_wait3A_243 = tpu.memref_slice %arg4[%dma_wait3A_229, %dma_wait3A_241, %dma_wait3A_242] : memref<2x32x1024xf32, #tpu.memory_space<vmem>> -> memref<1x32x1024xf32, #tpu.memory_space<vmem>>
    %dma_wait3A_244 = tpu.memref_squeeze %dma_wait3A_243 : memref<1x32x1024xf32, #tpu.memory_space<vmem>> -> memref<32x1024xf32, #tpu.memory_space<vmem>>
    tpu.wait_dma2 semaphore(%dma_wait3A_238 : memref<!tpu.dma_semaphore, #tpu.memory_space<semaphore_mem>>) src(%dma_wait3A_244 : memref<32x1024xf32, #tpu.memory_space<vmem>>) dst(%dma_wait3A_240 : memref<32x1024xf32, #tpu.memory_space<hbm>>)
    %add3A_245 = arith.constant 192 : i32
    %add3A_246 = arith.addi %mul3A_2, %add3A_245 : i32
    %dma_start3A_247 = arith.constant 1 : i32
    %dma_start3A_248 = arith.constant 1 : i32
    %dma_start3A_249 = arith.constant 0 : i32
    %dma_start3A_250 = arith.constant 0 : i32
    %dma_start3A_251 = tpu.memref_slice %arg4[%dma_start3A_247, %dma_start3A_249, %dma_start3A_250] : memref<2x32x1024xf32, #tpu.memory_space<vmem>> -> memref<1x32x1024xf32, #tpu.memory_space<vmem>>
    %dma_start3A_252 = tpu.memref_squeeze %dma_start3A_251 : memref<1x32x1024xf32, #tpu.memory_space<vmem>> -> memref<32x1024xf32, #tpu.memory_space<vmem>>
    %dma_start3A_253 = arith.constant 0 : i32
    %dma_start3A_254 = tpu.memref_slice %arg2[%add3A_246, %dma_start3A_253] : memref<8192x1024xf32, #tpu.memory_space<hbm>> -> memref<32x1024xf32, #tpu.memory_space<hbm>>
    %dma_start3A_255 = tpu.memref_slice %arg6[%dma_start3A_248] : memref<2x!tpu.dma_semaphore, #tpu.memory_space<semaphore_mem>> -> memref<1x!tpu.dma_semaphore, #tpu.memory_space<semaphore_mem>>
    %dma_start3A_256 = tpu.memref_squeeze %dma_start3A_255 : memref<1x!tpu.dma_semaphore, #tpu.memory_space<semaphore_mem>> -> memref<!tpu.dma_semaphore, #tpu.memory_space<semaphore_mem>>
    %dma_start3A_257 = arith.constant 0 : i32
    %dma_start3A_258 = arith.constant 0 : i32
    %dma_start3A_259 = tpu.memref_slice %arg4[%dma_start3A_247, %dma_start3A_257, %dma_start3A_258] : memref<2x32x1024xf32, #tpu.memory_space<vmem>> -> memref<1x32x1024xf32, #tpu.memory_space<vmem>>
    %dma_start3A_260 = tpu.memref_squeeze %dma_start3A_259 : memref<1x32x1024xf32, #tpu.memory_space<vmem>> -> memref<32x1024xf32, #tpu.memory_space<vmem>>
    %dma_start3A_261 = arith.constant 0 : i32
    %dma_start3A_262 = tpu.memref_slice %arg2[%add3A_246, %dma_start3A_261] : memref<8192x1024xf32, #tpu.memory_space<hbm>> -> memref<32x1024xf32, #tpu.memory_space<hbm>>
    tpu.enqueue_dma source(%dma_start3A_262 : memref<32x1024xf32, #tpu.memory_space<hbm>>) target(%dma_start3A_260 : memref<32x1024xf32, #tpu.memory_space<vmem>>) target_semaphore(%dma_start3A_256 : memref<!tpu.dma_semaphore, #tpu.memory_space<semaphore_mem>>)
    %dma_wait3A_263 = arith.constant 1 : i32
    %dma_wait3A_264 = arith.constant 1 : i32
    %dma_wait3A_265 = tpu.memref_slice %arg9[%dma_wait3A_264] : memref<2x!tpu.dma_semaphore, #tpu.memory_space<semaphore_mem>> -> memref<1x!tpu.dma_semaphore, #tpu.memory_space<semaphore_mem>>
    %dma_wait3A_266 = tpu.memref_squeeze %dma_wait3A_265 : memref<1x!tpu.dma_semaphore, #tpu.memory_space<semaphore_mem>> -> memref<!tpu.dma_semaphore, #tpu.memory_space<semaphore_mem>>
    %dma_wait3A_267 = arith.constant 0 : i32
    %dma_wait3A_268 = tpu.memref_slice %arg3[%add3A_218, %dma_wait3A_267] : memref<8192x1024xf32, #tpu.memory_space<hbm>> -> memref<32x1024xf32, #tpu.memory_space<hbm>>
    %dma_wait3A_269 = arith.constant 0 : i32
    %dma_wait3A_270 = arith.constant 0 : i32
    %dma_wait3A_271 = tpu.memref_slice %arg5[%arg1, %dma_wait3A_263, %dma_wait3A_269, %dma_wait3A_270] : memref<16x2x32x1024xf32, #tpu.memory_space<vmem_shared>> -> memref<1x1x32x1024xf32, #tpu.memory_space<vmem_shared>>
    %dma_wait3A_272 = tpu.memref_squeeze %dma_wait3A_271 : memref<1x1x32x1024xf32, #tpu.memory_space<vmem_shared>> -> memref<32x1024xf32, #tpu.memory_space<vmem_shared>>
    tpu.wait_dma2 semaphore(%dma_wait3A_266 : memref<!tpu.dma_semaphore, #tpu.memory_space<semaphore_mem>>) src(%dma_wait3A_272 : memref<32x1024xf32, #tpu.memory_space<vmem_shared>>) dst(%dma_wait3A_268 : memref<32x1024xf32, #tpu.memory_space<hbm>>)
    %add3A_273 = arith.constant 224 : i32
    %add3A_274 = arith.addi %mul3A_2, %add3A_273 : i32
    %dma_start3A_275 = arith.constant 1 : i32
    %dma_start3A_276 = arith.constant 1 : i32
    %dma_start3A_277 = tpu.memref_slice %arg8[%dma_start3A_276] : memref<2x!tpu.dma_semaphore, #tpu.memory_space<semaphore_mem>> -> memref<1x!tpu.dma_semaphore, #tpu.memory_space<semaphore_mem>>
    %dma_start3A_278 = tpu.memref_squeeze %dma_start3A_277 : memref<1x!tpu.dma_semaphore, #tpu.memory_space<semaphore_mem>> -> memref<!tpu.dma_semaphore, #tpu.memory_space<semaphore_mem>>
    %dma_start3A_279 = arith.constant 0 : i32
    %dma_start3A_280 = arith.constant 0 : i32
    %dma_start3A_281 = tpu.memref_slice %arg5[%arg1, %dma_start3A_275, %dma_start3A_279, %dma_start3A_280] : memref<16x2x32x1024xf32, #tpu.memory_space<vmem_shared>> -> memref<1x1x32x1024xf32, #tpu.memory_space<vmem_shared>>
    %dma_start3A_282 = tpu.memref_squeeze %dma_start3A_281 : memref<1x1x32x1024xf32, #tpu.memory_space<vmem_shared>> -> memref<32x1024xf32, #tpu.memory_space<vmem_shared>>
    %dma_start3A_283 = arith.constant 0 : i32
    %dma_start3A_284 = tpu.memref_slice %arg2[%add3A_274, %dma_start3A_283] : memref<8192x1024xf32, #tpu.memory_space<hbm>> -> memref<32x1024xf32, #tpu.memory_space<hbm>>
    tpu.enqueue_dma source(%dma_start3A_284 : memref<32x1024xf32, #tpu.memory_space<hbm>>) target(%dma_start3A_282 : memref<32x1024xf32, #tpu.memory_space<vmem_shared>>) target_semaphore(%dma_start3A_278 : memref<!tpu.dma_semaphore, #tpu.memory_space<semaphore_mem>>)
    %dma_wait3A_285 = arith.constant 0 : i32
    %dma_wait3A_286 = arith.constant 0 : i32
    %dma_wait3A_287 = arith.constant 0 : i32
    %dma_wait3A_288 = arith.constant 0 : i32
    %dma_wait3A_289 = tpu.memref_slice %arg4[%dma_wait3A_285, %dma_wait3A_287, %dma_wait3A_288] : memref<2x32x1024xf32, #tpu.memory_space<vmem>> -> memref<1x32x1024xf32, #tpu.memory_space<vmem>>
    %dma_wait3A_290 = tpu.memref_squeeze %dma_wait3A_289 : memref<1x32x1024xf32, #tpu.memory_space<vmem>> -> memref<32x1024xf32, #tpu.memory_space<vmem>>
    %dma_wait3A_291 = arith.constant 0 : i32
    %dma_wait3A_292 = tpu.memref_slice %arg2[%add3A_134, %dma_wait3A_291] : memref<8192x1024xf32, #tpu.memory_space<hbm>> -> memref<32x1024xf32, #tpu.memory_space<hbm>>
    %dma_wait3A_293 = tpu.memref_slice %arg6[%dma_wait3A_286] : memref<2x!tpu.dma_semaphore, #tpu.memory_space<semaphore_mem>> -> memref<1x!tpu.dma_semaphore, #tpu.memory_space<semaphore_mem>>
    %dma_wait3A_294 = tpu.memref_squeeze %dma_wait3A_293 : memref<1x!tpu.dma_semaphore, #tpu.memory_space<semaphore_mem>> -> memref<!tpu.dma_semaphore, #tpu.memory_space<semaphore_mem>>
    %dma_wait3A_295 = arith.constant 0 : i32
    %dma_wait3A_296 = arith.constant 0 : i32
    %dma_wait3A_297 = tpu.memref_slice %arg4[%dma_wait3A_285, %dma_wait3A_295, %dma_wait3A_296] : memref<2x32x1024xf32, #tpu.memory_space<vmem>> -> memref<1x32x1024xf32, #tpu.memory_space<vmem>>
    %dma_wait3A_298 = tpu.memref_squeeze %dma_wait3A_297 : memref<1x32x1024xf32, #tpu.memory_space<vmem>> -> memref<32x1024xf32, #tpu.memory_space<vmem>>
    %dma_wait3A_299 = arith.constant 0 : i32
    %dma_wait3A_300 = tpu.memref_slice %arg2[%add3A_134, %dma_wait3A_299] : memref<8192x1024xf32, #tpu.memory_space<hbm>> -> memref<32x1024xf32, #tpu.memory_space<hbm>>
    tpu.wait_dma2 semaphore(%dma_wait3A_294 : memref<!tpu.dma_semaphore, #tpu.memory_space<semaphore_mem>>) src(%dma_wait3A_300 : memref<32x1024xf32, #tpu.memory_space<hbm>>) dst(%dma_wait3A_298 : memref<32x1024xf32, #tpu.memory_space<vmem>>)
    %add3A_301 = arith.constant 128 : i32
    %add3A_302 = arith.addi %mul3A_2, %add3A_301 : i32
    %dma_start3A_303 = arith.constant 0 : i32
    %dma_start3A_304 = arith.constant 0 : i32
    %dma_start3A_305 = arith.constant 0 : i32
    %dma_start3A_306 = arith.constant 0 : i32
    %dma_start3A_307 = tpu.memref_slice %arg4[%dma_start3A_303, %dma_start3A_305, %dma_start3A_306] : memref<2x32x1024xf32, #tpu.memory_space<vmem>> -> memref<1x32x1024xf32, #tpu.memory_space<vmem>>
    %dma_start3A_308 = tpu.memref_squeeze %dma_start3A_307 : memref<1x32x1024xf32, #tpu.memory_space<vmem>> -> memref<32x1024xf32, #tpu.memory_space<vmem>>
    %dma_start3A_309 = arith.constant 0 : i32
    %dma_start3A_310 = tpu.memref_slice %arg3[%add3A_302, %dma_start3A_309] : memref<8192x1024xf32, #tpu.memory_space<hbm>> -> memref<32x1024xf32, #tpu.memory_space<hbm>>
    %dma_start3A_311 = tpu.memref_slice %arg7[%dma_start3A_304] : memref<2x!tpu.dma_semaphore, #tpu.memory_space<semaphore_mem>> -> memref<1x!tpu.dma_semaphore, #tpu.memory_space<semaphore_mem>>
    %dma_start3A_312 = tpu.memref_squeeze %dma_start3A_311 : memref<1x!tpu.dma_semaphore, #tpu.memory_space<semaphore_mem>> -> memref<!tpu.dma_semaphore, #tpu.memory_space<semaphore_mem>>
    %dma_start3A_313 = arith.constant 0 : i32
    %dma_start3A_314 = tpu.memref_slice %arg3[%add3A_302, %dma_start3A_313] : memref<8192x1024xf32, #tpu.memory_space<hbm>> -> memref<32x1024xf32, #tpu.memory_space<hbm>>
    %dma_start3A_315 = arith.constant 0 : i32
    %dma_start3A_316 = arith.constant 0 : i32
    %dma_start3A_317 = tpu.memref_slice %arg4[%dma_start3A_303, %dma_start3A_315, %dma_start3A_316] : memref<2x32x1024xf32, #tpu.memory_space<vmem>> -> memref<1x32x1024xf32, #tpu.memory_space<vmem>>
    %dma_start3A_318 = tpu.memref_squeeze %dma_start3A_317 : memref<1x32x1024xf32, #tpu.memory_space<vmem>> -> memref<32x1024xf32, #tpu.memory_space<vmem>>
    tpu.enqueue_dma source(%dma_start3A_318 : memref<32x1024xf32, #tpu.memory_space<vmem>>) target(%dma_start3A_314 : memref<32x1024xf32, #tpu.memory_space<hbm>>) target_semaphore(%dma_start3A_312 : memref<!tpu.dma_semaphore, #tpu.memory_space<semaphore_mem>>)
    %dma_wait3A_319 = arith.constant 0 : i32
    %dma_wait3A_320 = arith.constant 0 : i32
    %dma_wait3A_321 = tpu.memref_slice %arg8[%dma_wait3A_320] : memref<2x!tpu.dma_semaphore, #tpu.memory_space<semaphore_mem>> -> memref<1x!tpu.dma_semaphore, #tpu.memory_space<semaphore_mem>>
    %dma_wait3A_322 = tpu.memref_squeeze %dma_wait3A_321 : memref<1x!tpu.dma_semaphore, #tpu.memory_space<semaphore_mem>> -> memref<!tpu.dma_semaphore, #tpu.memory_space<semaphore_mem>>
    %dma_wait3A_323 = arith.constant 0 : i32
    %dma_wait3A_324 = arith.constant 0 : i32
    %dma_wait3A_325 = tpu.memref_slice %arg5[%arg1, %dma_wait3A_319, %dma_wait3A_323, %dma_wait3A_324] : memref<16x2x32x1024xf32, #tpu.memory_space<vmem_shared>> -> memref<1x1x32x1024xf32, #tpu.memory_space<vmem_shared>>
    %dma_wait3A_326 = tpu.memref_squeeze %dma_wait3A_325 : memref<1x1x32x1024xf32, #tpu.memory_space<vmem_shared>> -> memref<32x1024xf32, #tpu.memory_space<vmem_shared>>
    %dma_wait3A_327 = arith.constant 0 : i32
    %dma_wait3A_328 = tpu.memref_slice %arg2[%add3A_162, %dma_wait3A_327] : memref<8192x1024xf32, #tpu.memory_space<hbm>> -> memref<32x1024xf32, #tpu.memory_space<hbm>>
    tpu.wait_dma2 semaphore(%dma_wait3A_322 : memref<!tpu.dma_semaphore, #tpu.memory_space<semaphore_mem>>) src(%dma_wait3A_328 : memref<32x1024xf32, #tpu.memory_space<hbm>>) dst(%dma_wait3A_326 : memref<32x1024xf32, #tpu.memory_space<vmem_shared>>)
    %add3A_329 = arith.constant 160 : i32
    %add3A_330 = arith.addi %mul3A_2, %add3A_329 : i32
    %dma_start3A_331 = arith.constant 0 : i32
    %dma_start3A_332 = arith.constant 0 : i32
    %dma_start3A_333 = tpu.memref_slice %arg9[%dma_start3A_332] : memref<2x!tpu.dma_semaphore, #tpu.memory_space<semaphore_mem>> -> memref<1x!tpu.dma_semaphore, #tpu.memory_space<semaphore_mem>>
    %dma_start3A_334 = tpu.memref_squeeze %dma_start3A_333 : memref<1x!tpu.dma_semaphore, #tpu.memory_space<semaphore_mem>> -> memref<!tpu.dma_semaphore, #tpu.memory_space<semaphore_mem>>
    %dma_start3A_335 = arith.constant 0 : i32
    %dma_start3A_336 = tpu.memref_slice %arg3[%add3A_330, %dma_start3A_335] : memref<8192x1024xf32, #tpu.memory_space<hbm>> -> memref<32x1024xf32, #tpu.memory_space<hbm>>
    %dma_start3A_337 = arith.constant 0 : i32
    %dma_start3A_338 = arith.constant 0 : i32
    %dma_start3A_339 = tpu.memref_slice %arg5[%arg1, %dma_start3A_331, %dma_start3A_337, %dma_start3A_338] : memref<16x2x32x1024xf32, #tpu.memory_space<vmem_shared>> -> memref<1x1x32x1024xf32, #tpu.memory_space<vmem_shared>>
    %dma_start3A_340 = tpu.memref_squeeze %dma_start3A_339 : memref<1x1x32x1024xf32, #tpu.memory_space<vmem_shared>> -> memref<32x1024xf32, #tpu.memory_space<vmem_shared>>
    tpu.enqueue_dma source(%dma_start3A_340 : memref<32x1024xf32, #tpu.memory_space<vmem_shared>>) target(%dma_start3A_336 : memref<32x1024xf32, #tpu.memory_space<hbm>>) target_semaphore(%dma_start3A_334 : memref<!tpu.dma_semaphore, #tpu.memory_space<semaphore_mem>>)
    %dma_wait3A_341 = arith.constant 1 : i32
    %dma_wait3A_342 = arith.constant 1 : i32
    %dma_wait3A_343 = arith.constant 0 : i32
    %dma_wait3A_344 = arith.constant 0 : i32
    %dma_wait3A_345 = tpu.memref_slice %arg4[%dma_wait3A_341, %dma_wait3A_343, %dma_wait3A_344] : memref<2x32x1024xf32, #tpu.memory_space<vmem>> -> memref<1x32x1024xf32, #tpu.memory_space<vmem>>
    %dma_wait3A_346 = tpu.memref_squeeze %dma_wait3A_345 : memref<1x32x1024xf32, #tpu.memory_space<vmem>> -> memref<32x1024xf32, #tpu.memory_space<vmem>>
    %dma_wait3A_347 = arith.constant 0 : i32
    %dma_wait3A_348 = tpu.memref_slice %arg2[%add3A_246, %dma_wait3A_347] : memref<8192x1024xf32, #tpu.memory_space<hbm>> -> memref<32x1024xf32, #tpu.memory_space<hbm>>
    %dma_wait3A_349 = tpu.memref_slice %arg6[%dma_wait3A_342] : memref<2x!tpu.dma_semaphore, #tpu.memory_space<semaphore_mem>> -> memref<1x!tpu.dma_semaphore, #tpu.memory_space<semaphore_mem>>
    %dma_wait3A_350 = tpu.memref_squeeze %dma_wait3A_349 : memref<1x!tpu.dma_semaphore, #tpu.memory_space<semaphore_mem>> -> memref<!tpu.dma_semaphore, #tpu.memory_space<semaphore_mem>>
    %dma_wait3A_351 = arith.constant 0 : i32
    %dma_wait3A_352 = arith.constant 0 : i32
    %dma_wait3A_353 = tpu.memref_slice %arg4[%dma_wait3A_341, %dma_wait3A_351, %dma_wait3A_352] : memref<2x32x1024xf32, #tpu.memory_space<vmem>> -> memref<1x32x1024xf32, #tpu.memory_space<vmem>>
    %dma_wait3A_354 = tpu.memref_squeeze %dma_wait3A_353 : memref<1x32x1024xf32, #tpu.memory_space<vmem>> -> memref<32x1024xf32, #tpu.memory_space<vmem>>
    %dma_wait3A_355 = arith.constant 0 : i32
    %dma_wait3A_356 = tpu.memref_slice %arg2[%add3A_246, %dma_wait3A_355] : memref<8192x1024xf32, #tpu.memory_space<hbm>> -> memref<32x1024xf32, #tpu.memory_space<hbm>>
    tpu.wait_dma2 semaphore(%dma_wait3A_350 : memref<!tpu.dma_semaphore, #tpu.memory_space<semaphore_mem>>) src(%dma_wait3A_356 : memref<32x1024xf32, #tpu.memory_space<hbm>>) dst(%dma_wait3A_354 : memref<32x1024xf32, #tpu.memory_space<vmem>>)
    %add3A_357 = arith.constant 192 : i32
    %add3A_358 = arith.addi %mul3A_2, %add3A_357 : i32
    %dma_start3A_359 = arith.constant 1 : i32
    %dma_start3A_360 = arith.constant 1 : i32
    %dma_start3A_361 = arith.constant 0 : i32
    %dma_start3A_362 = arith.constant 0 : i32
    %dma_start3A_363 = tpu.memref_slice %arg4[%dma_start3A_359, %dma_start3A_361, %dma_start3A_362] : memref<2x32x1024xf32, #tpu.memory_space<vmem>> -> memref<1x32x1024xf32, #tpu.memory_space<vmem>>
    %dma_start3A_364 = tpu.memref_squeeze %dma_start3A_363 : memref<1x32x1024xf32, #tpu.memory_space<vmem>> -> memref<32x1024xf32, #tpu.memory_space<vmem>>
    %dma_start3A_365 = arith.constant 0 : i32
    %dma_start3A_366 = tpu.memref_slice %arg3[%add3A_358, %dma_start3A_365] : memref<8192x1024xf32, #tpu.memory_space<hbm>> -> memref<32x1024xf32, #tpu.memory_space<hbm>>
    %dma_start3A_367 = tpu.memref_slice %arg7[%dma_start3A_360] : memref<2x!tpu.dma_semaphore, #tpu.memory_space<semaphore_mem>> -> memref<1x!tpu.dma_semaphore, #tpu.memory_space<semaphore_mem>>
    %dma_start3A_368 = tpu.memref_squeeze %dma_start3A_367 : memref<1x!tpu.dma_semaphore, #tpu.memory_space<semaphore_mem>> -> memref<!tpu.dma_semaphore, #tpu.memory_space<semaphore_mem>>
    %dma_start3A_369 = arith.constant 0 : i32
    %dma_start3A_370 = tpu.memref_slice %arg3[%add3A_358, %dma_start3A_369] : memref<8192x1024xf32, #tpu.memory_space<hbm>> -> memref<32x1024xf32, #tpu.memory_space<hbm>>
    %dma_start3A_371 = arith.constant 0 : i32
    %dma_start3A_372 = arith.constant 0 : i32
    %dma_start3A_373 = tpu.memref_slice %arg4[%dma_start3A_359, %dma_start3A_371, %dma_start3A_372] : memref<2x32x1024xf32, #tpu.memory_space<vmem>> -> memref<1x32x1024xf32, #tpu.memory_space<vmem>>
    %dma_start3A_374 = tpu.memref_squeeze %dma_start3A_373 : memref<1x32x1024xf32, #tpu.memory_space<vmem>> -> memref<32x1024xf32, #tpu.memory_space<vmem>>
    tpu.enqueue_dma source(%dma_start3A_374 : memref<32x1024xf32, #tpu.memory_space<vmem>>) target(%dma_start3A_370 : memref<32x1024xf32, #tpu.memory_space<hbm>>) target_semaphore(%dma_start3A_368 : memref<!tpu.dma_semaphore, #tpu.memory_space<semaphore_mem>>)
    %dma_wait3A_375 = arith.constant 1 : i32
    %dma_wait3A_376 = arith.constant 1 : i32
    %dma_wait3A_377 = tpu.memref_slice %arg8[%dma_wait3A_376] : memref<2x!tpu.dma_semaphore, #tpu.memory_space<semaphore_mem>> -> memref<1x!tpu.dma_semaphore, #tpu.memory_space<semaphore_mem>>
    %dma_wait3A_378 = tpu.memref_squeeze %dma_wait3A_377 : memref<1x!tpu.dma_semaphore, #tpu.memory_space<semaphore_mem>> -> memref<!tpu.dma_semaphore, #tpu.memory_space<semaphore_mem>>
    %dma_wait3A_379 = arith.constant 0 : i32
    %dma_wait3A_380 = arith.constant 0 : i32
    %dma_wait3A_381 = tpu.memref_slice %arg5[%arg1, %dma_wait3A_375, %dma_wait3A_379, %dma_wait3A_380] : memref<16x2x32x1024xf32, #tpu.memory_space<vmem_shared>> -> memref<1x1x32x1024xf32, #tpu.memory_space<vmem_shared>>
    %dma_wait3A_382 = tpu.memref_squeeze %dma_wait3A_381 : memref<1x1x32x1024xf32, #tpu.memory_space<vmem_shared>> -> memref<32x1024xf32, #tpu.memory_space<vmem_shared>>
    %dma_wait3A_383 = arith.constant 0 : i32
    %dma_wait3A_384 = tpu.memref_slice %arg2[%add3A_274, %dma_wait3A_383] : memref<8192x1024xf32, #tpu.memory_space<hbm>> -> memref<32x1024xf32, #tpu.memory_space<hbm>>
    tpu.wait_dma2 semaphore(%dma_wait3A_378 : memref<!tpu.dma_semaphore, #tpu.memory_space<semaphore_mem>>) src(%dma_wait3A_384 : memref<32x1024xf32, #tpu.memory_space<hbm>>) dst(%dma_wait3A_382 : memref<32x1024xf32, #tpu.memory_space<vmem_shared>>)
    %add3A_385 = arith.constant 224 : i32
    %add3A_386 = arith.addi %mul3A_2, %add3A_385 : i32
    %dma_start3A_387 = arith.constant 1 : i32
    %dma_start3A_388 = arith.constant 1 : i32
    %dma_start3A_389 = tpu.memref_slice %arg9[%dma_start3A_388] : memref<2x!tpu.dma_semaphore, #tpu.memory_space<semaphore_mem>> -> memref<1x!tpu.dma_semaphore, #tpu.memory_space<semaphore_mem>>
    %dma_start3A_390 = tpu.memref_squeeze %dma_start3A_389 : memref<1x!tpu.dma_semaphore, #tpu.memory_space<semaphore_mem>> -> memref<!tpu.dma_semaphore, #tpu.memory_space<semaphore_mem>>
    %dma_start3A_391 = arith.constant 0 : i32
    %dma_start3A_392 = tpu.memref_slice %arg3[%add3A_386, %dma_start3A_391] : memref<8192x1024xf32, #tpu.memory_space<hbm>> -> memref<32x1024xf32, #tpu.memory_space<hbm>>
    %dma_start3A_393 = arith.constant 0 : i32
    %dma_start3A_394 = arith.constant 0 : i32
    %dma_start3A_395 = tpu.memref_slice %arg5[%arg1, %dma_start3A_387, %dma_start3A_393, %dma_start3A_394] : memref<16x2x32x1024xf32, #tpu.memory_space<vmem_shared>> -> memref<1x1x32x1024xf32, #tpu.memory_space<vmem_shared>>
    %dma_start3A_396 = tpu.memref_squeeze %dma_start3A_395 : memref<1x1x32x1024xf32, #tpu.memory_space<vmem_shared>> -> memref<32x1024xf32, #tpu.memory_space<vmem_shared>>
    tpu.enqueue_dma source(%dma_start3A_396 : memref<32x1024xf32, #tpu.memory_space<vmem_shared>>) target(%dma_start3A_392 : memref<32x1024xf32, #tpu.memory_space<hbm>>) target_semaphore(%dma_start3A_390 : memref<!tpu.dma_semaphore, #tpu.memory_space<semaphore_mem>>)
    %dma_wait3A_397 = arith.constant 0 : i32
    %dma_wait3A_398 = arith.constant 0 : i32
    %dma_wait3A_399 = arith.constant 0 : i32
    %dma_wait3A_400 = arith.constant 0 : i32
    %dma_wait3A_401 = tpu.memref_slice %arg4[%dma_wait3A_397, %dma_wait3A_399, %dma_wait3A_400] : memref<2x32x1024xf32, #tpu.memory_space<vmem>> -> memref<1x32x1024xf32, #tpu.memory_space<vmem>>
    %dma_wait3A_402 = tpu.memref_squeeze %dma_wait3A_401 : memref<1x32x1024xf32, #tpu.memory_space<vmem>> -> memref<32x1024xf32, #tpu.memory_space<vmem>>
    %dma_wait3A_403 = arith.constant 0 : i32
    %dma_wait3A_404 = tpu.memref_slice %arg3[%add3A_302, %dma_wait3A_403] : memref<8192x1024xf32, #tpu.memory_space<hbm>> -> memref<32x1024xf32, #tpu.memory_space<hbm>>
    %dma_wait3A_405 = tpu.memref_slice %arg7[%dma_wait3A_398] : memref<2x!tpu.dma_semaphore, #tpu.memory_space<semaphore_mem>> -> memref<1x!tpu.dma_semaphore, #tpu.memory_space<semaphore_mem>>
    %dma_wait3A_406 = tpu.memref_squeeze %dma_wait3A_405 : memref<1x!tpu.dma_semaphore, #tpu.memory_space<semaphore_mem>> -> memref<!tpu.dma_semaphore, #tpu.memory_space<semaphore_mem>>
    %dma_wait3A_407 = arith.constant 0 : i32
    %dma_wait3A_408 = tpu.memref_slice %arg3[%add3A_302, %dma_wait3A_407] : memref<8192x1024xf32, #tpu.memory_space<hbm>> -> memref<32x1024xf32, #tpu.memory_space<hbm>>
    %dma_wait3A_409 = arith.constant 0 : i32
    %dma_wait3A_410 = arith.constant 0 : i32
    %dma_wait3A_411 = tpu.memref_slice %arg4[%dma_wait3A_397, %dma_wait3A_409, %dma_wait3A_410] : memref<2x32x1024xf32, #tpu.memory_space<vmem>> -> memref<1x32x1024xf32, #tpu.memory_space<vmem>>
    %dma_wait3A_412 = tpu.memref_squeeze %dma_wait3A_411 : memref<1x32x1024xf32, #tpu.memory_space<vmem>> -> memref<32x1024xf32, #tpu.memory_space<vmem>>
    tpu.wait_dma2 semaphore(%dma_wait3A_406 : memref<!tpu.dma_semaphore, #tpu.memory_space<semaphore_mem>>) src(%dma_wait3A_412 : memref<32x1024xf32, #tpu.memory_space<vmem>>) dst(%dma_wait3A_408 : memref<32x1024xf32, #tpu.memory_space<hbm>>)
    %dma_wait3A_413 = arith.constant 1 : i32
    %dma_wait3A_414 = arith.constant 1 : i32
    %dma_wait3A_415 = arith.constant 0 : i32
    %dma_wait3A_416 = arith.constant 0 : i32
    %dma_wait3A_417 = tpu.memref_slice %arg4[%dma_wait3A_413, %dma_wait3A_415, %dma_wait3A_416] : memref<2x32x1024xf32, #tpu.memory_space<vmem>> -> memref<1x32x1024xf32, #tpu.memory_space<vmem>>
    %dma_wait3A_418 = tpu.memref_squeeze %dma_wait3A_417 : memref<1x32x1024xf32, #tpu.memory_space<vmem>> -> memref<32x1024xf32, #tpu.memory_space<vmem>>
    %dma_wait3A_419 = arith.constant 0 : i32
    %dma_wait3A_420 = tpu.memref_slice %arg3[%add3A_358, %dma_wait3A_419] : memref<8192x1024xf32, #tpu.memory_space<hbm>> -> memref<32x1024xf32, #tpu.memory_space<hbm>>
    %dma_wait3A_421 = tpu.memref_slice %arg7[%dma_wait3A_414] : memref<2x!tpu.dma_semaphore, #tpu.memory_space<semaphore_mem>> -> memref<1x!tpu.dma_semaphore, #tpu.memory_space<semaphore_mem>>
    %dma_wait3A_422 = tpu.memref_squeeze %dma_wait3A_421 : memref<1x!tpu.dma_semaphore, #tpu.memory_space<semaphore_mem>> -> memref<!tpu.dma_semaphore, #tpu.memory_space<semaphore_mem>>
    %dma_wait3A_423 = arith.constant 0 : i32
    %dma_wait3A_424 = tpu.memref_slice %arg3[%add3A_358, %dma_wait3A_423] : memref<8192x1024xf32, #tpu.memory_space<hbm>> -> memref<32x1024xf32, #tpu.memory_space<hbm>>
    %dma_wait3A_425 = arith.constant 0 : i32
    %dma_wait3A_426 = arith.constant 0 : i32
    %dma_wait3A_427 = tpu.memref_slice %arg4[%dma_wait3A_413, %dma_wait3A_425, %dma_wait3A_426] : memref<2x32x1024xf32, #tpu.memory_space<vmem>> -> memref<1x32x1024xf32, #tpu.memory_space<vmem>>
    %dma_wait3A_428 = tpu.memref_squeeze %dma_wait3A_427 : memref<1x32x1024xf32, #tpu.memory_space<vmem>> -> memref<32x1024xf32, #tpu.memory_space<vmem>>
    tpu.wait_dma2 semaphore(%dma_wait3A_422 : memref<!tpu.dma_semaphore, #tpu.memory_space<semaphore_mem>>) src(%dma_wait3A_428 : memref<32x1024xf32, #tpu.memory_space<vmem>>) dst(%dma_wait3A_424 : memref<32x1024xf32, #tpu.memory_space<hbm>>)
    %dma_wait3A_429 = arith.constant 0 : i32
    %dma_wait3A_430 = arith.constant 0 : i32
    %dma_wait3A_431 = tpu.memref_slice %arg9[%dma_wait3A_430] : memref<2x!tpu.dma_semaphore, #tpu.memory_space<semaphore_mem>> -> memref<1x!tpu.dma_semaphore, #tpu.memory_space<semaphore_mem>>
    %dma_wait3A_432 = tpu.memref_squeeze %dma_wait3A_431 : memref<1x!tpu.dma_semaphore, #tpu.memory_space<semaphore_mem>> -> memref<!tpu.dma_semaphore, #tpu.memory_space<semaphore_mem>>
    %dma_wait3A_433 = arith.constant 0 : i32
    %dma_wait3A_434 = tpu.memref_slice %arg3[%add3A_330, %dma_wait3A_433] : memref<8192x1024xf32, #tpu.memory_space<hbm>> -> memref<32x1024xf32, #tpu.memory_space<hbm>>
    %dma_wait3A_435 = arith.constant 0 : i32
    %dma_wait3A_436 = arith.constant 0 : i32
    %dma_wait3A_437 = tpu.memref_slice %arg5[%arg1, %dma_wait3A_429, %dma_wait3A_435, %dma_wait3A_436] : memref<16x2x32x1024xf32, #tpu.memory_space<vmem_shared>> -> memref<1x1x32x1024xf32, #tpu.memory_space<vmem_shared>>
    %dma_wait3A_438 = tpu.memref_squeeze %dma_wait3A_437 : memref<1x1x32x1024xf32, #tpu.memory_space<vmem_shared>> -> memref<32x1024xf32, #tpu.memory_space<vmem_shared>>
    tpu.wait_dma2 semaphore(%dma_wait3A_432 : memref<!tpu.dma_semaphore, #tpu.memory_space<semaphore_mem>>) src(%dma_wait3A_438 : memref<32x1024xf32, #tpu.memory_space<vmem_shared>>) dst(%dma_wait3A_434 : memref<32x1024xf32, #tpu.memory_space<hbm>>)
    %dma_wait3A_439 = arith.constant 1 : i32
    %dma_wait3A_440 = arith.constant 1 : i32
    %dma_wait3A_441 = tpu.memref_slice %arg9[%dma_wait3A_440] : memref<2x!tpu.dma_semaphore, #tpu.memory_space<semaphore_mem>> -> memref<1x!tpu.dma_semaphore, #tpu.memory_space<semaphore_mem>>
    %dma_wait3A_442 = tpu.memref_squeeze %dma_wait3A_441 : memref<1x!tpu.dma_semaphore, #tpu.memory_space<semaphore_mem>> -> memref<!tpu.dma_semaphore, #tpu.memory_space<semaphore_mem>>
    %dma_wait3A_443 = arith.constant 0 : i32
    %dma_wait3A_444 = tpu.memref_slice %arg3[%add3A_386, %dma_wait3A_443] : memref<8192x1024xf32, #tpu.memory_space<hbm>> -> memref<32x1024xf32, #tpu.memory_space<hbm>>
    %dma_wait3A_445 = arith.constant 0 : i32
    %dma_wait3A_446 = arith.constant 0 : i32
    %dma_wait3A_447 = tpu.memref_slice %arg5[%arg1, %dma_wait3A_439, %dma_wait3A_445, %dma_wait3A_446] : memref<16x2x32x1024xf32, #tpu.memory_space<vmem_shared>> -> memref<1x1x32x1024xf32, #tpu.memory_space<vmem_shared>>
    %dma_wait3A_448 = tpu.memref_squeeze %dma_wait3A_447 : memref<1x1x32x1024xf32, #tpu.memory_space<vmem_shared>> -> memref<32x1024xf32, #tpu.memory_space<vmem_shared>>
    tpu.wait_dma2 semaphore(%dma_wait3A_442 : memref<!tpu.dma_semaphore, #tpu.memory_space<semaphore_mem>>) src(%dma_wait3A_448 : memref<32x1024xf32, #tpu.memory_space<vmem_shared>>) dst(%dma_wait3A_444 : memref<32x1024xf32, #tpu.memory_space<hbm>>)
    return
  }
}

</mosaic_0001>

<sc_bundles>
// kernel: kernel.3.cloned.1.call-start
scs
__scs_entry_jumppad:
0x0: {  	(pc) =	sbr.rel $0x88, $3  }
0x1: {  	(tag) =	ssettag $0x0;
	lr =	simm.s32 $0x1  }
0x2: {  	[smem:$0x3FA0] =	sst lr;
	_ =	strace $0xD0000000  }
0x3: {  	_ = 	snop  }
0x4: {  	_ = 	snop  }
0x5: {  	_ = 	snop  }
0x6: {  	_ = 	snop  }
0x7: {  	_ = 	snop  }
__scs_overlays_trampoline_lowered:
0x8: {  	[smem:$0x3FAF] =	sst s0  }
0x9: {  	[smem:$0x3FB0] =	sst s1  }
0xa: {  	[smem:$0x3FB1] =	sst s2  }
0xb: {  	[smem:$0x3FB2] =	sst s3  }
0xc: {  	[smem:$0x3FB3] =	sst s4  }
0xd: {  	[smem:$0x3FB4] =	sst s5  }
0xe: {  	[smem:$0x3FB5] =	sst s6  }
0xf: {  	[smem:$0x3FB6] =	sst s7  }
0x10: {  	[smem:$0x3FB7] =	sst s8  }
0x11: {  	[smem:$0x3FB8] =	sst s9;
	s0 =	simm.s32 @!p0 $0x0  }
0x12: {  	s1 =	sld [smem:$0x3F9E];
	s0 =	simm.s32 @p0 $0x1  }
0x13: {  	[smem:$0x3FB9] =	sst s0;
	s0 =	simm.s32 @!p1 $0x0  }
0x14: {  	s2 =	sld [smem:$0x3F9D];
	s0 =	simm.s32 @p1 $0x1  }
0x15: {  	[smem:$0x3FBA] =	sst s0;
	s0 =	simm.s32 @!p2 $0x0  }
0x16: {  	s3 =	sld [smem:$0x3FDB];
	s0 =	simm.s32 @p2 $0x1  }
0x17: {  	s4 =	simm.s32 $0x1BF5;
	[smem:$0x3FBC] =	sst s0  }
0x18: {  	s0 =	sld [smem:$0x3F9F];
	_ =	swait.ge [sflag:s4], $0x0  }
0x19: {  	s7 =	sld [smem:$0x3FA0]  }
0x1a: {  	s8 =	sadd.s32 $0xFFFFE003, lr  }
0x1b: {  	s9 =	sadd.s32 $0xFFFFFEF7, lr;
	s5 =	simm.s32 $0xFFFFFFFF;
	p2 =	slt.u32 s8, $0xFFFFF086  }
0x1c: {  	p1 =	slt.u32 s9, $0xF7A;
	s5 =	simm.s32 @!p2 $0x0  }
0x1d: {  	s5 =	simm.s32 @p1 $0x1;
	p0 =	seq.s32 s7, s2  }
0x1e: {  	s7 =	smul.u32 @!p0 $0xF7A, s2;
	p2 =	seq.s32 @!p0 s5, $0x0  }
0x1f: {  	s9 =	smul.u32 $0xF7A, s1;
	s8 =	simm.s32 @!p0 $0x1BF5;
	p2 =	por !p2, p0  }
0x20: {  	[sflag:s8] =	ssyncset.s32 @!p0 $0xFFFFF086;
	s6 =	sadd.s32 @!p0 s3, s7;
	s7 =	simm.s32 @!p0 $0x108  }
0x21: {  	s3 =	sadd.s32 s3, s9;
	s6 =	sadd.s32 @!p0 $0x88, s6;
	s7 =	simm.s32 @p2 $0x1082  }
0x22: {  	[simem:s7], [sflag:s8] =	dma.local @!p0 [hbm:s6], $0xF7A  }
0x23: {  	s9 =	sor.u32 $0xD0000000, s2;
	s6 =	simm.s32 $0x108;
	_ =	swait.ge @!p0 [sflag:s8], $0x0  }
0x24: {  	s3 =	sadd.s32 $0x88, s3;
	s6 =	simm.s32 @!p1 $0x1082;
	[sflag:s4] =	ssyncset.s32 $0xFFFFF086  }
0x25: {  	[simem:s6], [sflag:s4] =	dma.local [hbm:s3], $0xF7A  }
0x26: {  	[smem:$0x3FA0] =	sst s1;
	(tag) =	ssettag s2;
	_ =	strace s9  }
0x27: {  	s1 =	sld [smem:$0x3FB0]  }
0x28: {  	s2 =	sld [smem:$0x3FB1]  }
0x29: {  	s4 =	sld [smem:$0x3FB3]  }
0x2a: {  	p0 =	seq.s32 s5, $0x0;
	s5 =	sld [smem:$0x3FB4]  }
0x2b: {  	s6 =	sld [smem:$0x3FB5]  }
0x2c: {  	s7 =	sld [smem:$0x3FB6]  }
0x2d: {  	s3 =	simm.s32 $0x108;
	s8 =	sld [smem:$0x3FB7]  }
0x2e: {  	s3 =	simm.s32 @!p0 $0x1082;
	s9 =	sld [smem:$0x3FB8]  }
0x2f: {  	lr =	sadd.s32 s0, s3;
	s0 =	sld [smem:$0x3FAF]  }
0x30: {  	s3 =	sld [smem:$0x3FB2]  }
0x31: {  	[smem:$0x3FBB] =	sst s10  }
0x32: {  	s10 =	sld [smem:$0x3FB9];
	_ =	sdelay $0x3  }
0x33: {  	p0 =	seq.s32 s10, $0x1;
	s10 =	sld [smem:$0x3FBB];
	_ =	sdelay $0x3  }
0x34: {  	[smem:$0x3FBB] =	sst s10  }
0x35: {  	s10 =	sld [smem:$0x3FBA];
	_ =	sdelay $0x3  }
0x36: {  	p1 =	seq.s32 s10, $0x1;
	s10 =	sld [smem:$0x3FBB];
	_ =	sdelay $0x3  }
0x37: {  	[smem:$0x3FBB] =	sst s10  }
0x38: {  	s10 =	sld [smem:$0x3FBC]  }
0x39: {  	_ = 	snop;
	(pc) =	sbr.ind lr, $3  }
0x3a: {  	_ = 	snop  }
0x3b: {  	_ = 	snop  }
0x3c: {  	p2 =	seq.s32 s10, $0x1;
	s10 =	sld [smem:$0x3FBB]  }
0x3d: {  	_ =	shalt  }
0x3e: {  	_ =	shalt  }
0x3f: {  	_ =	shalt  }
0x40: {  	_ =	shalt  }
0x41: {  	_ =	shalt  }
0x42: {  	_ =	shalt  }
0x43: {  	_ =	shalt  }
0x44: {  	_ =	shalt  }
0x45: {  	_ =	shalt  }
0x46: {  	_ =	shalt  }
0x47: {  	_ =	shalt  }
0x48: {  	_ =	shalt  }
0x49: {  	_ =	shalt  }
0x4a: {  	_ =	shalt  }
0x4b: {  	_ =	shalt  }
0x4c: {  	_ =	shalt  }
0x4d: {  	_ =	shalt  }
0x4e: {  	_ =	shalt  }
0x4f: {  	_ =	shalt  }
0x50: {  	_ =	shalt  }
0x51: {  	_ =	shalt  }
0x52: {  	_ =	shalt  }
0x53: {  	_ =	shalt  }
0x54: {  	_ =	shalt  }
0x55: {  	_ =	shalt  }
0x56: {  	_ =	shalt  }
0x57: {  	_ =	shalt  }
0x58: {  	_ =	shalt  }
0x59: {  	_ =	shalt  }
0x5a: {  	_ =	shalt  }
0x5b: {  	_ =	shalt  }
0x5c: {  	_ =	shalt  }
0x5d: {  	_ =	shalt  }
0x5e: {  	_ =	shalt  }
0x5f: {  	_ =	shalt  }
0x60: {  	_ =	shalt  }
0x61: {  	_ =	shalt  }
0x62: {  	_ =	shalt  }
0x63: {  	_ =	shalt  }
0x64: {  	_ =	shalt  }
0x65: {  	_ =	shalt  }
0x66: {  	_ =	shalt  }
0x67: {  	_ =	shalt  }
0x68: {  	_ =	shalt  }
0x69: {  	_ =	shalt  }
0x6a: {  	_ =	shalt  }
0x6b: {  	_ =	shalt  }
0x6c: {  	_ =	shalt  }
0x6d: {  	_ =	shalt  }
0x6e: {  	_ =	shalt  }
0x6f: {  	_ =	shalt  }
0x70: {  	_ =	shalt  }
0x71: {  	_ =	shalt  }
0x72: {  	_ =	shalt  }
0x73: {  	_ =	shalt  }
0x74: {  	_ =	shalt  }
0x75: {  	_ =	shalt  }
0x76: {  	_ =	shalt  }
0x77: {  	_ =	shalt  }
0x78: {  	_ =	shalt  }
0x79: {  	_ =	shalt  }
0x7a: {  	_ =	shalt  }
0x7b: {  	_ =	shalt  }
0x7c: {  	_ =	shalt  }
0x7d: {  	_ =	shalt  }
0x7e: {  	_ =	shalt  }
0x7f: {  	_ =	shalt  }
0x80: {  	_ =	shalt  }
0x81: {  	_ =	shalt  }
0x82: {  	_ =	shalt  }
0x83: {  	_ =	shalt  }
0x84: {  	_ =	shalt  }
0x85: {  	_ =	shalt  }
0x86: {  	_ =	shalt  }
0x87: {  	_ =	shalt  }
.Lfunc_end0:
.L_simem_size_0:
called_computation_lowered:
.L_overlay_start_0:
0x88: {  	s2 =	sld [smem:$0x3FD9]  }
0x89: {  	s3 =	sld [smem:$0x3FFE];
	_ =	sdelay $0x1  }
0x8a: {  	s1 =	srdreg.scid  }
0x8b: {  	s0 =	sand.u32 $0x1, s1  }
0x8c: {  	s18 =	sshll.u32 s0, $0xA;
	s2 =	sadd.s32 s3, s2  }
0x8d: {  	s2 =	sadd.s32 s2, s18  }
0x8e: {  	[smem:$0x3FC7] =	sst s2  }
0x8f: {  	_ = 	snop  }
0x90: {  	s2 =	sld [smem:$0x3FC9]  }
0x91: {  	s19 =	sld [smem:$0x3FD0];
	(tm) =	ssettm $0x1  }
0x92: {  	s4 =	sld [smem:$0x3FFB];
	_ =	sdelay $0x3  }
0x93: {  	_ =	strace s4  }
0x94: {  	s4 =	sld [smem:$0x3FFC];
	_ =	sdelay $0x3  }
0x95: {  	_ =	strace s4  }
0x96: {  	s4 =	sld [smem:$0x3FFD];
	_ =	sdelay $0x3  }
0x97: {  	_ =	strace s4  }
0x98: {  	_ =	strace $0x8FFFFFFF  }
0x99: {  	s20 =	sld [smem:$0x3FDB];
	_ =	sdelay $0x1  }
0x9a: {  	s5 =	simm.s32 $_scs_section_size  }
0x9b: {  	s6 =	simm.s32 $_size__tile_overlayer_lowered;
	s7 =	simm.s32 $_tile_overlayer_lowered  }
0x9c: {  	s23 =	simm.s32 $0x1BFF;
	s22 =	sshll.u32 s7, $0x1;
	s4 =	sadd.s32 s5, s20  }
0x9d: {  	s8 =	simm.s32 $0x0;
	s21 =	sshll.u32 s6, $0x1;
	s6 =	sadd.s32 s22, s4  }
0x9e: {  	[timem:s8], [sflag:s23] =	dma.local [hbm:s6], s21  }
0x9f: {  	_ =	swait.ge [sflag:s23], s21  }
0xa0: {  	s5 =	ssub.s32 $0x0, s21;
	[sflag:s23] =	ssyncset.done $0x0  }
0xa1: {  	[sflag:s23] =	ssyncadd.s32 s5;
	_ =	sdelay $0x1  }
0xa2: {  	s24 =	simm.s32 $0x1B8B  }
0xa3: {  	_ =	swait.ge [sflag:s24], $0x1  }
0xa4: {  	[sflag:s24] =	ssyncset.done $0x0  }
0xa5: {  	s25 =	simm.s32 $0x1B8E;
	[sflag:s24] =	ssyncadd.s32 $0xFFFFFFFF  }
0xa6: {  	s26 =	simm.s32 $execute0_lowered;
	[smem:$0x3FD2] =	sst s25  }
0xa7: {  	s5 =	sshll.u32 s26, $0x1;
	_ =	strace $0x80000046;
	[dreg:$0x1] =	wrdreg $0xFFFFFFFF  }
0xa8: {  	s28 =	simm.s32 $_size_execute0_lowered;
	s4 =	sadd.s32 s4, s5;
	[dreg:$0x0] =	wrdreg $0x0  }
0xa9: {  	s5 =	sshll.u32 s28, $0x1;
	[dreg:$0x2] =	wrdreg s4  }
0xaa: {  	[dreg:$0x3] =	wrdreg s5  }
0xab: {  	[dreg:$0x4] =	wrdreg $0xC0  }
0xac: {  	_ =	task [dreg:s8], $0x5FFFF  }
0xad: {  	[dreg:$0x1] =	wrdreg $0xFFFFFFFF  }
0xae: {  	[dreg:$0x0] =	wrdreg $0x60  }
0xaf: {  	[dreg:$0x2] =	wrdreg s2  }
0xb0: {  	[dreg:$0x3] =	wrdreg s19  }
0xb1: {  	[dreg:$0x4] =	wrdreg $0x100000  }
0xb2: {  	[dreg:$0x5] =	wrdreg $0x9  }
0xb3: {  	_ =	task.clear_ibuf [dreg:s8], $0x6FFFF;
	_ =	strace $0x90000046  }
0xb4: {  	s29 =	simm.s32 $0x9;
	_ =	strace $0x80000048  }
0xb5: {  	_ =	swait.ge [sflag:s29], $0x1  }
0xb6: {  	[sflag:s29] =	ssyncadd.s32 $0xFFFFFFFF  }
0xb7: {  	_ =	strace $0x90000048  }
0xb8: {  	_ =	sfence  }
0xb9: {  	s30 =	sld [smem:$0x0];
	_ =	sdelay $0x2  }
0xba: {  	s31 =	sshll.u32 s1, $0xD;
	s1 =	sshrl.u32 s1, $0x2  }
0xbb: {  	s3 =	sand.u32 $0x4000, s31;
	s1 =	sadd.s32 s1, s30  }
0xbc: {  	s0 =	sor.u32 s3, s0;
	s1 =	sshll.u32 s1, $0x11  }
0xbd: {  	s0 =	sor.u32 s1, s0  }
0xbe: {  	s0 =	sadd.s32 $0x8F2B, s0  }
0xbf: {  	[sflag:s0] =	ssyncadd.remote.s32 $0x1  }
0xc0: {  	_ =	sfence.sel $0xFFFF  }
0xc1: {  	[dreg:$0x0] =	wrdreg $0xFFFFFFFF;
	(pc) =	sbr.abs _section_cstart, $3  }
0xc2: {  	[dreg:$0x1] =	wrdreg $0xFFFFFFFF  }
0xc3: {  	_ =	task.clear_ibuf [dreg:s8], $0x2FFFF;
	_ =	strace $0x9FFFFFFF  }
0xc4: {  	(tm) =	ssettm $0x7FFFFFFF  }
0xc5: {  	_ =	shalt  }
tec
execute0_lowered:
.L_overlay_start_1:
0x0: {  	(tag) =	ssettag $0x1  }
0x1: {  	s24 =	rddreg [dreg:$0x0]  }
0x2: {  	s29 =	rddreg [dreg:$0x1];
	s2 =	srdreg.scid  }
0x3: {  	s3 =	rddreg [dreg:$0x2];
	s0 =	stileid.u32;
	s30 =	sand.u32 $0x1, s2  }
0x4: {  	s2 =	simm.s32 $0x0;
	s4 =	sshll.u32 s0, $0x10;
	s5 =	sshll.u32 s30, $0xF  }
0x5: {  	[smem:$0x7FF] =	sst s2;
	s25 =	sor.u32 s5, s4  }
0x6: {  	s20 =	sshll.u32 s0, $0x6;
	_ =	strace $0x80000047;
	s5 =	sadd.s32 s24, s25  }
0x7: {  	s17 =	sor.u32 $0x2000, s25;
	s0 =	sadd.s32 s29, s25;
	[dreg:$0x4] =	wrdreg s5  }
0x8: {  	s10 =	sor.u32 $0x1000, s25;
	s22 =	sadd.s32 s24, s17;
	[dreg:$0x8] =	wrdreg s0  }
0x9: {  	s19 =	sor.u32 $0x3000, s25;
	s23 =	sadd.s32 s24, s10;
	[dreg:$0x5] =	wrdreg s22  }
0xa: {  	s26 =	sadd.s32 s24, s19;
	[dreg:$0x6] =	wrdreg s23  }
0xb: {  	[dreg:$0x7] =	wrdreg s26  }
0xc: {  	s6 =	sadd.s32 s4, s3;
	s3 =	sor.u32 $0x1C05, s20;
	s31 =	rddreg [dreg:$0x4]  }
0xd: {  	s5 =	sshrl.u32 s6, $0x3;
	s6 =	sadd.s32 $0x8000, s6;
	s7 =	rddreg [dreg:$0x6]  }
0xe: {  	[tilespmem:s2], [sflag:$0x1] =	stream.linear.gather [hbm4b:s31+s2], $0x8000, $0x38;
	v63 =	vld [tilespmem:$0x0]  }
0xf: {  	s4 =	simm.s32 $0x8000;
	s6 =	sshrl.u32 s6, $0x3;
	s8 =	rddreg [dreg:$0x5]  }
0x10: {  	[tilespmem:s4], [sflag:$0x2] =	stream.linear.gather [hbm4b:s8+s2], $0x8000, $0x38;
	v63 =	vld [tilespmem:$0x0]  }
0x11: {  	[spmem:s5], [sflag:s3] =	dma.local [hbm:s7], $0x1000  }
0x12: {  	s8 =	sor.u32 $0x1C06, s20;
	s7 =	simm.s32 $0x1;
	s9 =	rddreg [dreg:$0x7]  }
0x13: {  	[spmem:s6], [sflag:s8] =	dma.local [hbm:s9], $0x1000  }
0x14: {  	_ =	swait.ge [sflag:s7], $0x8000  }
0x15: {  	[sflag:s7] =	ssyncset.done $0x0  }
0x16: {  	s9 =	simm.s32 $0x5;
	s11 =	rddreg [dreg:$0x8];
	[sflag:s7] =	ssyncadd.s32 $0xFFFF8000  }
0x17: {  	[hbm4b:s11+s2] =	stream.linear.scatter [tilespmem:s2], [sflag:$0x3], $0x8000, $0x38;
	v63 =	vld [tilespmem:$0x0]  }
0x18: {  	_ =	swait.ge [sflag:s9], $0x1000  }
0x19: {  	s12 =	sor.u32 $0x1C07, s20;
	[sflag:s9] =	ssyncset.done $0x0  }
0x1a: {  	s10 =	sadd.s32 s29, s10;
	s11 =	simm.s32 $0x3;
	[sflag:s9] =	ssyncadd.s32 $0xFFFFF000  }
0x1b: {  	[hbm:s10], [sflag:s12] =	dma.local [spmem:s5], $0x1000  }
0x1c: {  	_ =	swait.ge [sflag:s11], $0x8000  }
0x1d: {  	s26 =	sor.u32 $0x4000, s25;
	[sflag:s11] =	ssyncset.done $0x0  }
0x1e: {  	s14 =	simm.s32 $0x7;
	s13 =	sadd.s32 s24, s26;
	[sflag:s11] =	ssyncadd.s32 $0xFFFF8000  }
0x1f: {  	[tilespmem:s2], [sflag:$0x1] =	stream.linear.gather [hbm4b:s13+s2], $0x8000, $0x38;
	v63 =	vld [tilespmem:$0x0]  }
0x20: {  	_ =	swait.ge [sflag:s14], $0x1000  }
0x21: {  	s28 =	sor.u32 $0x5000, s25;
	[sflag:s14] =	ssyncset.done $0x0  }
0x22: {  	s16 =	simm.s32 $0x2;
	s15 =	sadd.s32 s24, s28;
	[sflag:s14] =	ssyncadd.s32 $0xFFFFF000  }
0x23: {  	[spmem:s5], [sflag:s3] =	dma.local [hbm:s15], $0x1000  }
0x24: {  	_ =	swait.ge [sflag:s16], $0x8000  }
0x25: {  	[sflag:s16] =	ssyncset.done $0x0  }
0x26: {  	s18 =	simm.s32 $0x6;
	s17 =	sadd.s32 s29, s17;
	[sflag:s16] =	ssyncadd.s32 $0xFFFF8000  }
0x27: {  	[hbm4b:s17+s2] =	stream.linear.scatter [tilespmem:s4], [sflag:$0x4], $0x8000, $0x38;
	v63 =	vld [tilespmem:$0x0]  }
0x28: {  	_ =	swait.ge [sflag:s18], $0x1000  }
0x29: {  	s21 =	simm.s32 $0x4;
	[sflag:s18] =	ssyncset.done $0x0  }
0x2a: {  	s19 =	sadd.s32 s29, s19;
	s20 =	sor.u32 $0x1C08, s20;
	[sflag:s18] =	ssyncadd.s32 $0xFFFFF000  }
0x2b: {  	[hbm:s19], [sflag:s20] =	dma.local [spmem:s6], $0x1000  }
0x2c: {  	_ =	swait.ge [sflag:s21], $0x8000  }
0x2d: {  	s31 =	sor.u32 $0x6000, s25;
	[sflag:s21] =	ssyncset.done $0x0  }
0x2e: {  	s22 =	simm.s32 $0x8;
	s23 =	sadd.s32 s24, s31;
	[sflag:s21] =	ssyncadd.s32 $0xFFFF8000  }
0x2f: {  	[tilespmem:s4], [sflag:$0x2] =	stream.linear.gather [hbm4b:s23+s2], $0x8000, $0x38;
	v63 =	vld [tilespmem:$0x0]  }
0x30: {  	_ =	swait.ge [sflag:s22], $0x1000  }
0x31: {  	s1 =	sor.u32 $0x7000, s25;
	[sflag:s22] =	ssyncset.done $0x0  }
0x32: {  	s24 =	sadd.s32 s24, s1;
	[sflag:s22] =	ssyncadd.s32 $0xFFFFF000  }
0x33: {  	[spmem:s6], [sflag:s8] =	dma.local [hbm:s24], $0x1000  }
0x34: {  	_ =	swait.ge [sflag:s7], $0x8000  }
0x35: {  	[sflag:s7] =	ssyncset.done $0x0  }
0x36: {  	s25 =	sadd.s32 s29, s26;
	[sflag:s7] =	ssyncadd.s32 $0xFFFF8000  }
0x37: {  	[hbm4b:s25+s2] =	stream.linear.scatter [tilespmem:s2], [sflag:$0x3], $0x8000, $0x38;
	v63 =	vld [tilespmem:$0x0]  }
0x38: {  	_ =	swait.ge [sflag:s9], $0x1000  }
0x39: {  	[sflag:s9] =	ssyncset.done $0x0  }
0x3a: {  	s26 =	sadd.s32 s29, s28;
	[sflag:s9] =	ssyncadd.s32 $0xFFFFF000  }
0x3b: {  	[hbm:s26], [sflag:s12] =	dma.local [spmem:s5], $0x1000  }
0x3c: {  	_ =	swait.ge [sflag:s16], $0x8000  }
0x3d: {  	[sflag:s16] =	ssyncset.done $0x0  }
0x3e: {  	s28 =	sadd.s32 s29, s31;
	[sflag:s16] =	ssyncadd.s32 $0xFFFF8000  }
0x3f: {  	[hbm4b:s28+s2] =	stream.linear.scatter [tilespmem:s4], [sflag:$0x4], $0x8000, $0x38;
	v63 =	vld [tilespmem:$0x0]  }
0x40: {  	_ =	swait.ge [sflag:s18], $0x1000  }
0x41: {  	[sflag:s18] =	ssyncset.done $0x0  }
0x42: {  	s29 =	sadd.s32 s29, s1;
	[sflag:s18] =	ssyncadd.s32 $0xFFFFF000  }
0x43: {  	[hbm:s29], [sflag:s20] =	dma.local [spmem:s6], $0x1000  }
0x44: {  	s31 =	ssub.s32 $0x2, s30;
	_ =	swait.ge [sflag:s11], $0x8000  }
0x45: {  	s30 =	sshrl.u32 s31, $0x1;
	[sflag:s11] =	ssyncset.done $0x0  }
0x46: {  	s0 =	ssub.s32 s31, s30;
	[sflag:s11] =	ssyncadd.s32 $0xFFFF8000  }
0x47: {  	s0 =	smax.u32 s0, $0x1;
	_ =	swait.ge [sflag:s21], $0x8000  }
0x48: {  	p0 =	sne.s32 s0, $0x1;
	[sflag:s21] =	ssyncset.done $0x0  }
.Ltmp0:
0x49: {  	[sflag:s21] =	ssyncadd.s32 $0xFFFF8000;
	(pc) =	sbr.rel @!p0 .LBB2_2-.Ltmp0, $4  }
0x4a: {  	_ =	swait.ge [sflag:s14], $0x1000  }
0x4b: {  	[sflag:s14] =	ssyncset.done $0x0  }
0x4c: {  	[sflag:s14] =	ssyncadd.s32 $0xFFFFF000  }
0x4d: {  	s30 =	sadd.s32 $0xFFFFFFFF, s0;
	_ =	swait.ge [sflag:s22], $0x1000  }
.LBB2_1:
0x4e: {  	s0 =	rddreg [dreg:$0x4];
	[sflag:s22] =	ssyncset.done $0x0  }
0x4f: {  	s31 =	rddreg [dreg:$0x6];
	[sflag:s22] =	ssyncadd.s32 $0xFFFFF000  }
0x50: {  	[tilespmem:s2], [sflag:$0x1] =	stream.linear.gather [hbm4b:s0+s2], $0x8000, $0x38;
	v63 =	vld [tilespmem:$0x0]  }
0x51: {  	s1 =	rddreg [dreg:$0x5]  }
0x52: {  	[tilespmem:s4], [sflag:$0x2] =	stream.linear.gather [hbm4b:s1+s2], $0x8000, $0x38;
	v63 =	vld [tilespmem:$0x0]  }
0x53: {  	[spmem:s5], [sflag:s3] =	dma.local [hbm:s31], $0x1000  }
0x54: {  	s1 =	rddreg [dreg:$0x7]  }
0x55: {  	[spmem:s6], [sflag:s8] =	dma.local [hbm:s1], $0x1000  }
0x56: {  	_ =	swait.ge [sflag:s7], $0x8000  }
0x57: {  	[sflag:s7] =	ssyncset.done $0x0  }
0x58: {  	s31 =	rddreg [dreg:$0x8];
	[sflag:s7] =	ssyncadd.s32 $0xFFFF8000  }
0x59: {  	[hbm4b:s31+s2] =	stream.linear.scatter [tilespmem:s2], [sflag:$0x3], $0x8000, $0x38;
	v63 =	vld [tilespmem:$0x0]  }
0x5a: {  	_ =	swait.ge [sflag:s9], $0x1000  }
0x5b: {  	[sflag:s9] =	ssyncset.done $0x0  }
0x5c: {  	[sflag:s9] =	ssyncadd.s32 $0xFFFFF000  }
0x5d: {  	[hbm:s10], [sflag:s12] =	dma.local [spmem:s5], $0x1000  }
0x5e: {  	_ =	swait.ge [sflag:s11], $0x8000  }
0x5f: {  	[sflag:s11] =	ssyncset.done $0x0  }
0x60: {  	[sflag:s11] =	ssyncadd.s32 $0xFFFF8000  }
0x61: {  	[tilespmem:s2], [sflag:$0x1] =	stream.linear.gather [hbm4b:s13+s2], $0x8000, $0x38;
	v63 =	vld [tilespmem:$0x0]  }
0x62: {  	_ =	swait.ge [sflag:s14], $0x1000  }
0x63: {  	[sflag:s14] =	ssyncset.done $0x0  }
0x64: {  	[sflag:s14] =	ssyncadd.s32 $0xFFFFF000  }
0x65: {  	[spmem:s5], [sflag:s3] =	dma.local [hbm:s15], $0x1000  }
0x66: {  	_ =	swait.ge [sflag:s16], $0x8000  }
0x67: {  	[sflag:s16] =	ssyncset.done $0x0  }
0x68: {  	[sflag:s16] =	ssyncadd.s32 $0xFFFF8000  }
0x69: {  	[hbm4b:s17+s2] =	stream.linear.scatter [tilespmem:s4], [sflag:$0x4], $0x8000, $0x38;
	v63 =	vld [tilespmem:$0x0]  }
0x6a: {  	_ =	swait.ge [sflag:s18], $0x1000  }
0x6b: {  	[sflag:s18] =	ssyncset.done $0x0  }
0x6c: {  	[sflag:s18] =	ssyncadd.s32 $0xFFFFF000  }
0x6d: {  	[hbm:s19], [sflag:s20] =	dma.local [spmem:s6], $0x1000  }
0x6e: {  	_ =	swait.ge [sflag:s21], $0x8000  }
0x6f: {  	[sflag:s21] =	ssyncset.done $0x0  }
0x70: {  	[sflag:s21] =	ssyncadd.s32 $0xFFFF8000  }
0x71: {  	[tilespmem:s4], [sflag:$0x2] =	stream.linear.gather [hbm4b:s23+s2], $0x8000, $0x38;
	v63 =	vld [tilespmem:$0x0]  }
0x72: {  	_ =	swait.ge [sflag:s22], $0x1000  }
0x73: {  	[sflag:s22] =	ssyncset.done $0x0  }
0x74: {  	[sflag:s22] =	ssyncadd.s32 $0xFFFFF000  }
0x75: {  	[spmem:s6], [sflag:s8] =	dma.local [hbm:s24], $0x1000  }
0x76: {  	_ =	swait.ge [sflag:s7], $0x8000  }
0x77: {  	[sflag:s7] =	ssyncset.done $0x0  }
0x78: {  	[sflag:s7] =	ssyncadd.s32 $0xFFFF8000  }
0x79: {  	[hbm4b:s25+s2] =	stream.linear.scatter [tilespmem:s2], [sflag:$0x3], $0x8000, $0x38;
	v63 =	vld [tilespmem:$0x0]  }
0x7a: {  	_ =	swait.ge [sflag:s9], $0x1000  }
0x7b: {  	[sflag:s9] =	ssyncset.done $0x0  }
0x7c: {  	[sflag:s9] =	ssyncadd.s32 $0xFFFFF000  }
0x7d: {  	[hbm:s26], [sflag:s12] =	dma.local [spmem:s5], $0x1000  }
0x7e: {  	_ =	swait.ge [sflag:s16], $0x8000  }
0x7f: {  	[sflag:s16] =	ssyncset.done $0x0  }
0x80: {  	[sflag:s16] =	ssyncadd.s32 $0xFFFF8000  }
0x81: {  	[hbm4b:s28+s2] =	stream.linear.scatter [tilespmem:s4], [sflag:$0x4], $0x8000, $0x38;
	v63 =	vld [tilespmem:$0x0]  }
0x82: {  	_ =	swait.ge [sflag:s18], $0x1000  }
0x83: {  	[sflag:s18] =	ssyncset.done $0x0  }
0x84: {  	[sflag:s18] =	ssyncadd.s32 $0xFFFFF000  }
0x85: {  	[hbm:s29], [sflag:s20] =	dma.local [spmem:s6], $0x1000  }
0x86: {  	_ =	swait.ge [sflag:s11], $0x8000  }
0x87: {  	[sflag:s11] =	ssyncset.done $0x0  }
0x88: {  	[sflag:s11] =	ssyncadd.s32 $0xFFFF8000  }
0x89: {  	_ =	swait.ge [sflag:s21], $0x8000  }
0x8a: {  	p0 =	sne.s32 s30, $0x1;
	[sflag:s21] =	ssyncset.done $0x0  }
.Ltmp1:
0x8b: {  	[sflag:s21] =	ssyncadd.s32 $0xFFFF8000;
	(pc) =	sbr.rel @p0 .LBB2_1-.Ltmp1, $4  }
0x8c: {  	_ =	swait.ge [sflag:s14], $0x1000  }
0x8d: {  	[sflag:s14] =	ssyncset.done $0x0  }
0x8e: {  	[sflag:s14] =	ssyncadd.s32 $0xFFFFF000  }
0x8f: {  	s30 =	sadd.s32 $0xFFFFFFFF, s30;
	_ =	swait.ge [sflag:s22], $0x1000  }
.LBB2_2:
0x90: {  	[sflag:s22] =	ssyncset.done $0x0  }
0x91: {  	[sflag:s22] =	ssyncadd.s32 $0xFFFFF000  }
0x92: {  	_ =	sfence.sel $0x180000  }
0x93: {  	[bflag:$0x0] =	sbarrier.arrive $0xFFFF  }
0x94: {  	_ =	strace $0x90000047  }
0x95: {  	s0 =	stileid.u32;
	[bflag:$0x2] =	sbarrier.arrive $0xFFFF  }
0x96: {  	p0 =	sne.s32 s0, $0x0;
	s0 =	rddreg [dreg:$0x3]  }
0x97: {  	s0 =	sadd.s32 @!p0 $0x100000, s0  }
0x98: {  	[sflag:s0] =	ssyncadd.tile.s32 @!p0 $0x1;
	_ =	shalt  }
.Lfunc_end2:
_tile_overlayer_lowered:
.L_overlay_start_2:
0x99: {  	(tag) =	ssettag $0x2  }
0x9a: {  	s0 =	rddreg [dreg:$0x0];
	s2 =	stileid.u32  }
0x9b: {  	s1 =	rddreg [dreg:$0x1];
	p0 =	sne.s32 s2, $0x0  }
0x9c: {  	s3 =	rddreg [dreg:$0x2];
	[bflag:$0x3] =	sbarrier.arrive $0xFFFF;
	s2 =	simm.s32 @!p0 $0x1C09  }
0x9d: {  	[timem:s3], [sflag:s2] =	dma.local @!p0 [hbm:s0], s1  }
0x9e: {  	s0 =	simm.s32 @!p0 $0x9  }
0x9f: {  	_ =	swait.ge @!p0 [sflag:s0], s1  }
0xa0: {  	s1 =	ssub.s32 @!p0 $0x0, s1;
	[sflag:s0] =	ssyncset.done @!p0 $0x0  }
0xa1: {  	[sflag:s0] =	ssyncadd.s32 @!p0 s1  }
0xa2: {  	[bflag:$0x3] =	sbarrier.arrive $0xFFFF  }
0xa3: {  	_ =	shalt  }

</sc_bundles>
